<compile_context>
chip_gen: v7x
topology: tpu7x:2x2x1
jax: 0.10.2.dev20260603
libtpu: 0.0.44.dev20260713+nightly
codegen_flags: <defaults>
</compile_context>

<pallas_src>
import functools

import jax
import jax.numpy as jnp
from jax import lax
from jax.experimental import pallas as pl
from jax.experimental.pallas import tpu as pltpu
from jax.experimental.pallas import tpu_sc as plsc

N = 10000
NP = 10240
E = 160000
D_IN = 256
D_HID = 512
FC = 128
NTILES = 16
ROWS_PT = NP // NTILES
EPT = E // NTILES
BLK = 80
NBLK = EPT // BLK
EPT_C = E // 32
BLK_C = 40
NBLK_C = EPT_C // BLK_C
ZR = 80

_mesh = plsc.VectorSubcoreMesh(core_axis_name="c", subcore_axis_name="s")


@functools.partial(
    pl.kernel,
    mesh=_mesh,
    out_type=jax.ShapeDtypeStruct((NP, 16), jnp.float32),
    scratch_types=[
        pltpu.VMEM((NBLK, BLK), jnp.int32),
        pltpu.VMEM((BLK, 16), jnp.float32),
        pltpu.VMEM_SHARED((NP, 16), jnp.float32),
    ],
)
def _sc_degree(dst3, zdeg, ones_h, deg_out, didx_v, ones_v, deg_sh):
    c = lax.axis_index("c")
    s = lax.axis_index("s")
    pltpu.sync_copy(dst3.at[s], didx_v)
    pltpu.sync_copy(ones_h, ones_v)
    pltpu.sync_copy(zdeg, deg_sh.at[pl.ds(s * ROWS_PT, ROWS_PT)])
    plsc.subcore_barrier()

    def body(j, carry):
        @pl.when(c == 0)
        def _():
            pltpu.sync_copy(ones_v, deg_sh.at[didx_v.at[j]], add=True)
        return carry

    lax.fori_loop(0, NBLK, body, 0)
    plsc.subcore_barrier()

    @pl.when(c == 0)
    def _():
        pltpu.sync_copy(deg_sh.at[pl.ds(s * ROWS_PT, ROWS_PT)],
                        deg_out.at[pl.ds(s * ROWS_PT, ROWS_PT)])


@functools.partial(
    pl.kernel,
    mesh=_mesh,
    out_type=jax.ShapeDtypeStruct((2, NP, FC), jnp.float32),
    scratch_types=[
        pltpu.VMEM((NBLK, BLK), jnp.int32),
        pltpu.VMEM((NBLK, BLK), jnp.int32),
        pltpu.VMEM((BLK, FC), jnp.float32),
        pltpu.VMEM_SHARED((NP, FC), jnp.float32),
        pltpu.SemaphoreType.DMA,
    ],
)
def _sc_layer1(xa, xb, src3, dst3, zrow,
               agg_out, sidx_v, didx_v, rows_v, acc_sh, sem):
    c = lax.axis_index("c")
    s = lax.axis_index("s")
    pltpu.sync_copy(src3.at[s], sidx_v)
    pltpu.sync_copy(dst3.at[s], didx_v)
    for z in range(ROWS_PT // ZR):
        pltpu.sync_copy(zrow, acc_sh.at[pl.ds(s * ROWS_PT + z * ZR, ZR)])
    plsc.subcore_barrier()

    def body(j, carry):
        @pl.when(c == 0)
        def _():
            pltpu.async_copy(xa.at[sidx_v.at[j]], rows_v, sem).wait()

        @pl.when(c == 1)
        def _():
            pltpu.async_copy(xb.at[sidx_v.at[j]], rows_v, sem).wait()

        pltpu.sync_copy(rows_v, acc_sh.at[didx_v.at[j]], add=True)
        return carry

    lax.fori_loop(0, NBLK, body, 0)
    plsc.subcore_barrier()
    pltpu.sync_copy(acc_sh.at[pl.ds(s * ROWS_PT, ROWS_PT)],
                    agg_out.at[c, pl.ds(s * ROWS_PT, ROWS_PT)])


@functools.partial(
    pl.kernel,
    mesh=_mesh,
    out_type=jax.ShapeDtypeStruct((2, 2, NP, FC), jnp.float32),
    scratch_types=[
        pltpu.VMEM((NBLK, BLK), jnp.int32),
        pltpu.VMEM((NBLK, BLK), jnp.int32),
        pltpu.VMEM((BLK, FC), jnp.float32),
        pltpu.VMEM_SHARED((NP, FC), jnp.float32),
        pltpu.SemaphoreType.DMA,
    ],
)
def _sc_layer2(h0, h1c, h2c, h3c, src3, dst3, zrow,
               agg_out, sidx_v, didx_v, rows_v, acc_sh, sem):
    c = lax.axis_index("c")
    s = lax.axis_index("s")
    pltpu.sync_copy(src3.at[s], sidx_v)
    pltpu.sync_copy(dst3.at[s], didx_v)
    chunks = ((h0, h2c), (h1c, h3c))
    for sub in (0, 1):
        for z in range(ROWS_PT // ZR):
            pltpu.sync_copy(zrow, acc_sh.at[pl.ds(s * ROWS_PT + z * ZR, ZR)])
        plsc.subcore_barrier()
        ca, cb = chunks[sub]

        def body(j, carry):
            @pl.when(c == 0)
            def _():
                pltpu.async_copy(ca.at[sidx_v.at[j]], rows_v, sem).wait()

            @pl.when(c == 1)
            def _():
                pltpu.async_copy(cb.at[sidx_v.at[j]], rows_v, sem).wait()

            pltpu.sync_copy(rows_v, acc_sh.at[didx_v.at[j]], add=True)
            return carry

        lax.fori_loop(0, NBLK, body, 0)
        plsc.subcore_barrier()
        pltpu.sync_copy(acc_sh.at[pl.ds(s * ROWS_PT, ROWS_PT)],
                        agg_out.at[c, sub, pl.ds(s * ROWS_PT, ROWS_PT)])


@functools.partial(
    pl.kernel,
    mesh=_mesh,
    out_type=[
        jax.ShapeDtypeStruct((E, FC), jnp.float32),
        jax.ShapeDtypeStruct((E, FC), jnp.float32),
    ],
    scratch_types=[
        pltpu.VMEM((NBLK_C, BLK_C), jnp.int32),
        pltpu.VMEM((NBLK_C, BLK_C), jnp.int32),
        pltpu.VMEM((BLK_C, FC), jnp.float32),
        pltpu.VMEM((BLK_C, FC), jnp.float32),
        pltpu.SemaphoreType.DMA,
    ],
)
def _sc_edge(pa, pb, src3, dst3, a_out, b_out,
             sidx_v, didx_v, rowsa_v, rowsb_v, sem):
    c = lax.axis_index("c")
    s = lax.axis_index("s")
    wid = s * 2 + c
    pltpu.sync_copy(src3.at[wid], sidx_v)
    pltpu.sync_copy(dst3.at[wid], didx_v)

    def body(j, carry):
        pltpu.async_copy(pa.at[sidx_v.at[j]], rowsa_v, sem).wait()
        pltpu.async_copy(pb.at[didx_v.at[j]], rowsb_v, sem).wait()
        base = wid * EPT_C + j * BLK_C
        pltpu.sync_copy(rowsa_v, a_out.at[pl.ds(base, BLK_C)])
        pltpu.sync_copy(rowsb_v, b_out.at[pl.ds(base, BLK_C)])
        return carry

    lax.fori_loop(0, NBLK_C, body, 0)


def _tc1_fn(agg_ref, deg_ref, x_ref, wl_ref, bl_ref, wr_ref, o_ref):
    inv = 1.0 / jnp.maximum(deg_ref[...], 1.0)
    mean = agg_ref[...] * inv
    acc = jnp.dot(mean, wl_ref[...], preferred_element_type=jnp.float32)
    acc = acc + jnp.dot(x_ref[...], wr_ref[...],
                        preferred_element_type=jnp.float32)
    o_ref[...] = jnp.maximum(acc + bl_ref[...], 0.0)


_BM1 = 1000
_tc1 = pl.pallas_call(
    _tc1_fn,
    grid=(N // _BM1,),
    in_specs=[
        pl.BlockSpec((_BM1, D_IN), lambda i: (i, 0)),
        pl.BlockSpec((_BM1, 1), lambda i: (i, 0)),
        pl.BlockSpec((_BM1, D_IN), lambda i: (i, 0)),
        pl.BlockSpec((D_IN, D_HID), lambda i: (0, 0)),
        pl.BlockSpec((1, D_HID), lambda i: (0, 0)),
        pl.BlockSpec((D_IN, D_HID), lambda i: (0, 0)),
    ],
    out_specs=pl.BlockSpec((_BM1, D_HID), lambda i: (i, 0)),
    out_shape=jax.ShapeDtypeStruct((N, D_HID), jnp.float32),
)


def _tc2_fn(agg_ref, deg_ref, h_ref, wl_ref, bl_ref, wr_ref,
            wma_ref, wmb_ref, bm1_ref, pa_ref, pb_ref):
    inv = 1.0 / jnp.maximum(deg_ref[...], 1.0)
    mean = agg_ref[...] * inv
    h2 = jnp.dot(mean, wl_ref[...], preferred_element_type=jnp.float32)
    h2 = h2 + jnp.dot(h_ref[...], wr_ref[...],
                      preferred_element_type=jnp.float32)
    h2 = h2 + bl_ref[...]
    pa_ref[...] = jnp.dot(h2, wma_ref[...],
                          preferred_element_type=jnp.float32) + bm1_ref[...]
    pb_ref[...] = jnp.dot(h2, wmb_ref[...],
                          preferred_element_type=jnp.float32)


_tc2 = pl.pallas_call(
    _tc2_fn,
    grid=(N // _BM1,),
    in_specs=[
        pl.BlockSpec((_BM1, D_HID), lambda i: (i, 0)),
        pl.BlockSpec((_BM1, 1), lambda i: (i, 0)),
        pl.BlockSpec((_BM1, D_HID), lambda i: (i, 0)),
        pl.BlockSpec((D_HID, D_HID), lambda i: (0, 0)),
        pl.BlockSpec((1, D_HID), lambda i: (0, 0)),
        pl.BlockSpec((D_HID, D_HID), lambda i: (0, 0)),
        pl.BlockSpec((D_HID, FC), lambda i: (0, 0)),
        pl.BlockSpec((D_HID, FC), lambda i: (0, 0)),
        pl.BlockSpec((1, FC), lambda i: (0, 0)),
    ],
    out_specs=[
        pl.BlockSpec((_BM1, FC), lambda i: (i, 0)),
        pl.BlockSpec((_BM1, FC), lambda i: (i, 0)),
    ],
    out_shape=[
        jax.ShapeDtypeStruct((N, FC), jnp.float32),
        jax.ShapeDtypeStruct((N, FC), jnp.float32),
    ],
)


def _tc3_fn(a_ref, b_ref, w_ref, o_ref):
    t = jnp.maximum(a_ref[...] + b_ref[...], 0.0)
    o_ref[...] = lax.dot_general(t, w_ref[...], (((1,), (1,)), ((), ())),
                                 preferred_element_type=jnp.float32)


_BM3 = 4000
_tc3 = pl.pallas_call(
    _tc3_fn,
    grid=(E // _BM3,),
    in_specs=[
        pl.BlockSpec((_BM3, FC), lambda i: (i, 0)),
        pl.BlockSpec((_BM3, FC), lambda i: (i, 0)),
        pl.BlockSpec((1, FC), lambda i: (0, 0)),
    ],
    out_specs=pl.BlockSpec((_BM3, 1), lambda i: (i, 0)),
    out_shape=jax.ShapeDtypeStruct((E, 1), jnp.float32),
)


def kernel(x, edge_index, W1l, b1l, W1r, W2l, b2l, W2r, Wm1, bm1, Wm2, bm2):
    src = edge_index[0].astype(jnp.int32)
    dst = edge_index[1].astype(jnp.int32)
    src3 = src.reshape(NTILES, NBLK, BLK)
    dst3 = dst.reshape(NTILES, NBLK, BLK)
    src3c = src.reshape(32, NBLK_C, BLK_C)
    dst3c = dst.reshape(32, NBLK_C, BLK_C)

    zrow = jnp.zeros((ZR, FC), jnp.float32)
    zdeg = jnp.zeros((ROWS_PT, 16), jnp.float32)
    ones_h = jnp.ones((BLK, 16), jnp.float32)

    degc = _sc_degree(dst3, zdeg, ones_h)
    deg = degc[:N, :1]

    agg = _sc_layer1(x[:, :FC], x[:, FC:], src3, dst3, zrow)
    agg1 = jnp.concatenate([agg[0, :N], agg[1, :N]], axis=1)

    h1 = _tc1(agg1, deg, x, W1l.T, b1l.reshape(1, -1), W1r.T)

    agg2c = _sc_layer2(h1[:, :FC], h1[:, FC:2 * FC], h1[:, 2 * FC:3 * FC],
                       h1[:, 3 * FC:], src3, dst3, zrow)
    agg2 = jnp.concatenate([agg2c[0, 0, :N], agg2c[0, 1, :N],
                            agg2c[1, 0, :N], agg2c[1, 1, :N]], axis=1)

    pa, pb = _tc2(agg2, deg, h1, W2l.T, b2l.reshape(1, -1), W2r.T,
                  Wm1[:, :D_HID].T, Wm1[:, D_HID:].T, bm1.reshape(1, -1))

    a_rows, b_rows = _sc_edge(pa, pb, src3c, dst3c)

    out = _tc3(a_rows, b_rows, Wm2.reshape(1, -1))
    return out[:, 0] + bm2[0]

# --- scband reference (transcript-rebuilt; emitter-appended) ---
"""Pipeline reference for scband-link-predictor-13984413515967 (READ-ONLY COPY).

The authoritative reference and input builder live on the scoring server;
editing this copy changes nothing except your own understanding.
"""

import jax, jax.numpy as jnp
import numpy as np

N_NODES = 10000
N_EDGES = 160000
D_IN = 256
D_HID = 512

def setup_inputs(seed: int = 0) -> dict:
    key = jax.random.key(seed)
    ks = jax.random.split(key, 12)
    x = jax.random.normal(ks[0], (N_NODES, D_IN), dtype=jnp.float32)
    edge_index = jax.random.randint(ks[1], (2, N_EDGES), 0, N_NODES, dtype=jnp.int64)
    def glorot(k, shape):
        fan_in = shape[1]
        return jax.random.normal(k, shape, dtype=jnp.float32) * (1.0 / np.sqrt(fan_in))
    return {
        "x": x,
        "edge_index": edge_index,
        # SAGEConv layer 1: lin_l (aggregated, with bias), lin_r (root, no bias)
        "W1l": glorot(ks[2], (D_HID, D_IN)),
        "b1l": jnp.zeros((D_HID,), dtype=jnp.float32),
        "W1r": glorot(ks[3], (D_HID, D_IN)),
        # SAGEConv layer 2
        "W2l": glorot(ks[4], (D_HID, D_HID)),
        "b2l": jnp.zeros((D_HID,), dtype=jnp.float32),
        "W2r": glorot(ks[5], (D_HID, D_HID)),
        # MLP: Linear(2*D_HID, 128) -> ReLU -> Linear(128, 1)
        "Wm1": glorot(ks[6], (128, 2 * D_HID)),
        "bm1": jnp.zeros((128,), dtype=jnp.float32),
        "Wm2": glorot(ks[7], (1, 128)),
        "bm2": jnp.zeros((1,), dtype=jnp.float32),
    }

def _sage_conv(h, src, dst, Wl, bl, Wr):
    n = h.shape[0]
    msg = jnp.take(h, src, axis=0)
    agg = jax.ops.segment_sum(msg, dst, num_segments=n)
    deg = jax.ops.segment_sum(jnp.ones((src.shape[0],), dtype=h.dtype), dst, num_segments=n)
    mean = agg / jnp.clip(deg, 1.0)[:, None]
    return mean @ Wl.T + bl + h @ Wr.T

def reference(x, edge_index, W1l, b1l, W1r, W2l, b2l, W2r, Wm1, bm1, Wm2, bm2):
    src = edge_index[0]
    dst = edge_index[1]
    # GraphSAGE, num_layers=2, ReLU between layers (not after last)
    h = jax.nn.relu(_sage_conv(x, src, dst, W1l, b1l, W1r))
    h = _sage_conv(h, src, dst, W2l, b2l, W2r)
    # edge embeddings: concat endpoint features
    e = jnp.concatenate([jnp.take(h, src, axis=0), jnp.take(h, dst, axis=0)], axis=1)
    out = jax.nn.relu(e @ Wm1.T + bm1) @ Wm2.T + bm2
    return out.squeeze(-1)

if __name__ == "__main__":
    import jax
    _d = setup_inputs()
    print(jax.jit(kernel)(*tuple(_d.values())))

</pallas_src>

<mosaic_0001>
#map = affine_map<(d0, d1) -> (0, 0)>
#map1 = affine_map<(d0, d1) -> (0, 0, 0)>
#map2 = affine_map<(d0, d1) -> (0, 0, 0, 0)>
module attributes {stable_mosaic.version = 14 : i64} {
  func.func @_sc_layer2(%arg0: i32, %arg1: i32, %arg2: memref<10000x128xf32, #tpu.memory_space<hbm>>, %arg3: memref<10000x128xf32, #tpu.memory_space<hbm>>, %arg4: memref<10000x128xf32, #tpu.memory_space<hbm>>, %arg5: memref<10000x128xf32, #tpu.memory_space<hbm>>, %arg6: memref<16x125x80xi32, #tpu.memory_space<hbm>>, %arg7: memref<16x125x80xi32, #tpu.memory_space<hbm>>, %arg8: memref<80x128xf32, #tpu.memory_space<hbm>>, %arg9: memref<2x2x10240x128xf32, #tpu.memory_space<hbm>>, %arg10: memref<125x80xi32, #tpu.memory_space<vmem>>, %arg11: memref<125x80xi32, #tpu.memory_space<vmem>>, %arg12: memref<80x128xf32, #tpu.memory_space<vmem>>, %arg13: memref<10240x128xf32, #tpu.memory_space<vmem_shared>>, %arg14: memref<!tpu.dma_semaphore, #tpu.memory_space<semaphore_mem>>) attributes {dimension_semantics = [#tpu.dimension_semantics<core_parallel>, #tpu.dimension_semantics<subcore_parallel>], iteration_bounds = array<i64: 2, 16>, scalar_prefetch = 0 : i64, scratch_operands = 5 : i64, tpu.core_type = #tpu.core_type<sc_vector_subcore>, window_params = [{transform_indices = #map}, {transform_indices = #map}, {transform_indices = #map}, {transform_indices = #map}, {transform_indices = #map1}, {transform_indices = #map1}, {transform_indices = #map}, {transform_indices = #map2}]} {
    "tpu.region"() ({
      %run_scoped3A_85 = tpu.sem_alloc : memref<!tpu.dma_semaphore, #tpu.memory_space<semaphore_mem>>
      %dma_start3A = arith.constant 0 : i32
      %dma_start3A_86 = arith.constant 0 : i32
      %dma_start3A_87 = tpu.memref_slice %arg6[%arg1, %dma_start3A, %dma_start3A_86] : memref<16x125x80xi32, #tpu.memory_space<hbm>> -> memref<1x125x80xi32, #tpu.memory_space<hbm>>
      %dma_start3A_88 = tpu.memref_squeeze %dma_start3A_87 : memref<1x125x80xi32, #tpu.memory_space<hbm>> -> memref<125x80xi32, #tpu.memory_space<hbm>>
      %dma_start3A_89 = arith.constant 0 : i32
      %dma_start3A_90 = arith.constant 0 : i32
      %dma_start3A_91 = tpu.memref_slice %arg6[%arg1, %dma_start3A_89, %dma_start3A_90] : memref<16x125x80xi32, #tpu.memory_space<hbm>> -> memref<1x125x80xi32, #tpu.memory_space<hbm>>
      %dma_start3A_92 = tpu.memref_squeeze %dma_start3A_91 : memref<1x125x80xi32, #tpu.memory_space<hbm>> -> memref<125x80xi32, #tpu.memory_space<hbm>>
      tpu.enqueue_dma source(%dma_start3A_92 : memref<125x80xi32, #tpu.memory_space<hbm>>) target(%arg10 : memref<125x80xi32, #tpu.memory_space<vmem>>) target_semaphore(%run_scoped3A_85 : memref<!tpu.dma_semaphore, #tpu.memory_space<semaphore_mem>>)
      %dma_wait3A = arith.constant 0 : i32
      %dma_wait3A_93 = arith.constant 0 : i32
      %dma_wait3A_94 = tpu.memref_slice %arg6[%arg1, %dma_wait3A, %dma_wait3A_93] : memref<16x125x80xi32, #tpu.memory_space<hbm>> -> memref<1x125x80xi32, #tpu.memory_space<hbm>>
      %dma_wait3A_95 = tpu.memref_squeeze %dma_wait3A_94 : memref<1x125x80xi32, #tpu.memory_space<hbm>> -> memref<125x80xi32, #tpu.memory_space<hbm>>
      %dma_wait3A_96 = arith.constant 0 : i32
      %dma_wait3A_97 = arith.constant 0 : i32
      %dma_wait3A_98 = tpu.memref_slice %arg6[%arg1, %dma_wait3A_96, %dma_wait3A_97] : memref<16x125x80xi32, #tpu.memory_space<hbm>> -> memref<1x125x80xi32, #tpu.memory_space<hbm>>
      %dma_wait3A_99 = tpu.memref_squeeze %dma_wait3A_98 : memref<1x125x80xi32, #tpu.memory_space<hbm>> -> memref<125x80xi32, #tpu.memory_space<hbm>>
      tpu.wait_dma2 semaphore(%run_scoped3A_85 : memref<!tpu.dma_semaphore, #tpu.memory_space<semaphore_mem>>) src(%dma_wait3A_99 : memref<125x80xi32, #tpu.memory_space<hbm>>) dst(%arg10 : memref<125x80xi32, #tpu.memory_space<vmem>>)
      tpu.yield
    }) : () -> ()
    "tpu.region"() ({
      %run_scoped3A_85 = tpu.sem_alloc : memref<!tpu.dma_semaphore, #tpu.memory_space<semaphore_mem>>
      %dma_start3A = arith.constant 0 : i32
      %dma_start3A_86 = arith.constant 0 : i32
      %dma_start3A_87 = tpu.memref_slice %arg7[%arg1, %dma_start3A, %dma_start3A_86] : memref<16x125x80xi32, #tpu.memory_space<hbm>> -> memref<1x125x80xi32, #tpu.memory_space<hbm>>
      %dma_start3A_88 = tpu.memref_squeeze %dma_start3A_87 : memref<1x125x80xi32, #tpu.memory_space<hbm>> -> memref<125x80xi32, #tpu.memory_space<hbm>>
      %dma_start3A_89 = arith.constant 0 : i32
      %dma_start3A_90 = arith.constant 0 : i32
      %dma_start3A_91 = tpu.memref_slice %arg7[%arg1, %dma_start3A_89, %dma_start3A_90] : memref<16x125x80xi32, #tpu.memory_space<hbm>> -> memref<1x125x80xi32, #tpu.memory_space<hbm>>
      %dma_start3A_92 = tpu.memref_squeeze %dma_start3A_91 : memref<1x125x80xi32, #tpu.memory_space<hbm>> -> memref<125x80xi32, #tpu.memory_space<hbm>>
      tpu.enqueue_dma source(%dma_start3A_92 : memref<125x80xi32, #tpu.memory_space<hbm>>) target(%arg11 : memref<125x80xi32, #tpu.memory_space<vmem>>) target_semaphore(%run_scoped3A_85 : memref<!tpu.dma_semaphore, #tpu.memory_space<semaphore_mem>>)
      %dma_wait3A = arith.constant 0 : i32
      %dma_wait3A_93 = arith.constant 0 : i32
      %dma_wait3A_94 = tpu.memref_slice %arg7[%arg1, %dma_wait3A, %dma_wait3A_93] : memref<16x125x80xi32, #tpu.memory_space<hbm>> -> memref<1x125x80xi32, #tpu.memory_space<hbm>>
      %dma_wait3A_95 = tpu.memref_squeeze %dma_wait3A_94 : memref<1x125x80xi32, #tpu.memory_space<hbm>> -> memref<125x80xi32, #tpu.memory_space<hbm>>
      %dma_wait3A_96 = arith.constant 0 : i32
      %dma_wait3A_97 = arith.constant 0 : i32
      %dma_wait3A_98 = tpu.memref_slice %arg7[%arg1, %dma_wait3A_96, %dma_wait3A_97] : memref<16x125x80xi32, #tpu.memory_space<hbm>> -> memref<1x125x80xi32, #tpu.memory_space<hbm>>
      %dma_wait3A_99 = tpu.memref_squeeze %dma_wait3A_98 : memref<1x125x80xi32, #tpu.memory_space<hbm>> -> memref<125x80xi32, #tpu.memory_space<hbm>>
      tpu.wait_dma2 semaphore(%run_scoped3A_85 : memref<!tpu.dma_semaphore, #tpu.memory_space<semaphore_mem>>) src(%dma_wait3A_99 : memref<125x80xi32, #tpu.memory_space<hbm>>) dst(%arg11 : memref<125x80xi32, #tpu.memory_space<vmem>>)
      tpu.yield
    }) : () -> ()
    %mul3A = arith.constant 640 : i32
    %mul3A_0 = arith.muli %arg1, %mul3A : i32
    %add3A = arith.constant 0 : i32
    %add3A_1 = arith.addi %mul3A_0, %add3A : i32
    "tpu.region"() ({
      %run_scoped3A_85 = tpu.sem_alloc : memref<!tpu.dma_semaphore, #tpu.memory_space<semaphore_mem>>
      %dma_start3A = arith.constant 0 : i32
      %dma_start3A_86 = tpu.memref_slice %arg13[%add3A_1, %dma_start3A] : memref<10240x128xf32, #tpu.memory_space<vmem_shared>> -> memref<80x128xf32, #tpu.memory_space<vmem_shared>>
      tpu.enqueue_dma source(%arg8 : memref<80x128xf32, #tpu.memory_space<hbm>>) target(%dma_start3A_86 : memref<80x128xf32, #tpu.memory_space<vmem_shared>>) target_semaphore(%run_scoped3A_85 : memref<!tpu.dma_semaphore, #tpu.memory_space<semaphore_mem>>)
      %dma_wait3A = arith.constant 0 : i32
      %dma_wait3A_87 = tpu.memref_slice %arg13[%add3A_1, %dma_wait3A] : memref<10240x128xf32, #tpu.memory_space<vmem_shared>> -> memref<80x128xf32, #tpu.memory_space<vmem_shared>>
      tpu.wait_dma2 semaphore(%run_scoped3A_85 : memref<!tpu.dma_semaphore, #tpu.memory_space<semaphore_mem>>) src(%arg8 : memref<80x128xf32, #tpu.memory_space<hbm>>) dst(%dma_wait3A_87 : memref<80x128xf32, #tpu.memory_space<vmem_shared>>)
      tpu.yield
    }) : () -> ()
    %mul3A_2 = arith.constant 640 : i32
    %mul3A_3 = arith.muli %arg1, %mul3A_2 : i32
    %add3A_4 = arith.constant 80 : i32
    %add3A_5 = arith.addi %mul3A_3, %add3A_4 : i32
    "tpu.region"() ({
      %run_scoped3A_85 = tpu.sem_alloc : memref<!tpu.dma_semaphore, #tpu.memory_space<semaphore_mem>>
      %dma_start3A = arith.constant 0 : i32
      %dma_start3A_86 = tpu.memref_slice %arg13[%add3A_5, %dma_start3A] : memref<10240x128xf32, #tpu.memory_space<vmem_shared>> -> memref<80x128xf32, #tpu.memory_space<vmem_shared>>
      tpu.enqueue_dma source(%arg8 : memref<80x128xf32, #tpu.memory_space<hbm>>) target(%dma_start3A_86 : memref<80x128xf32, #tpu.memory_space<vmem_shared>>) target_semaphore(%run_scoped3A_85 : memref<!tpu.dma_semaphore, #tpu.memory_space<semaphore_mem>>)
      %dma_wait3A = arith.constant 0 : i32
      %dma_wait3A_87 = tpu.memref_slice %arg13[%add3A_5, %dma_wait3A] : memref<10240x128xf32, #tpu.memory_space<vmem_shared>> -> memref<80x128xf32, #tpu.memory_space<vmem_shared>>
      tpu.wait_dma2 semaphore(%run_scoped3A_85 : memref<!tpu.dma_semaphore, #tpu.memory_space<semaphore_mem>>) src(%arg8 : memref<80x128xf32, #tpu.memory_space<hbm>>) dst(%dma_wait3A_87 : memref<80x128xf32, #tpu.memory_space<vmem_shared>>)
      tpu.yield
    }) : () -> ()
    %mul3A_6 = arith.constant 640 : i32
    %mul3A_7 = arith.muli %arg1, %mul3A_6 : i32
    %add3A_8 = arith.constant 160 : i32
    %add3A_9 = arith.addi %mul3A_7, %add3A_8 : i32
    "tpu.region"() ({
      %run_scoped3A_85 = tpu.sem_alloc : memref<!tpu.dma_semaphore, #tpu.memory_space<semaphore_mem>>
      %dma_start3A = arith.constant 0 : i32
      %dma_start3A_86 = tpu.memref_slice %arg13[%add3A_9, %dma_start3A] : memref<10240x128xf32, #tpu.memory_space<vmem_shared>> -> memref<80x128xf32, #tpu.memory_space<vmem_shared>>
      tpu.enqueue_dma source(%arg8 : memref<80x128xf32, #tpu.memory_space<hbm>>) target(%dma_start3A_86 : memref<80x128xf32, #tpu.memory_space<vmem_shared>>) target_semaphore(%run_scoped3A_85 : memref<!tpu.dma_semaphore, #tpu.memory_space<semaphore_mem>>)
      %dma_wait3A = arith.constant 0 : i32
      %dma_wait3A_87 = tpu.memref_slice %arg13[%add3A_9, %dma_wait3A] : memref<10240x128xf32, #tpu.memory_space<vmem_shared>> -> memref<80x128xf32, #tpu.memory_space<vmem_shared>>
      tpu.wait_dma2 semaphore(%run_scoped3A_85 : memref<!tpu.dma_semaphore, #tpu.memory_space<semaphore_mem>>) src(%arg8 : memref<80x128xf32, #tpu.memory_space<hbm>>) dst(%dma_wait3A_87 : memref<80x128xf32, #tpu.memory_space<vmem_shared>>)
      tpu.yield
    }) : () -> ()
    %mul3A_10 = arith.constant 640 : i32
    %mul3A_11 = arith.muli %arg1, %mul3A_10 : i32
    %add3A_12 = arith.constant 240 : i32
    %add3A_13 = arith.addi %mul3A_11, %add3A_12 : i32
    "tpu.region"() ({
      %run_scoped3A_85 = tpu.sem_alloc : memref<!tpu.dma_semaphore, #tpu.memory_space<semaphore_mem>>
      %dma_start3A = arith.constant 0 : i32
      %dma_start3A_86 = tpu.memref_slice %arg13[%add3A_13, %dma_start3A] : memref<10240x128xf32, #tpu.memory_space<vmem_shared>> -> memref<80x128xf32, #tpu.memory_space<vmem_shared>>
      tpu.enqueue_dma source(%arg8 : memref<80x128xf32, #tpu.memory_space<hbm>>) target(%dma_start3A_86 : memref<80x128xf32, #tpu.memory_space<vmem_shared>>) target_semaphore(%run_scoped3A_85 : memref<!tpu.dma_semaphore, #tpu.memory_space<semaphore_mem>>)
      %dma_wait3A = arith.constant 0 : i32
      %dma_wait3A_87 = tpu.memref_slice %arg13[%add3A_13, %dma_wait3A] : memref<10240x128xf32, #tpu.memory_space<vmem_shared>> -> memref<80x128xf32, #tpu.memory_space<vmem_shared>>
      tpu.wait_dma2 semaphore(%run_scoped3A_85 : memref<!tpu.dma_semaphore, #tpu.memory_space<semaphore_mem>>) src(%arg8 : memref<80x128xf32, #tpu.memory_space<hbm>>) dst(%dma_wait3A_87 : memref<80x128xf32, #tpu.memory_space<vmem_shared>>)
      tpu.yield
    }) : () -> ()
    %mul3A_14 = arith.constant 640 : i32
    %mul3A_15 = arith.muli %arg1, %mul3A_14 : i32
    %add3A_16 = arith.constant 320 : i32
    %add3A_17 = arith.addi %mul3A_15, %add3A_16 : i32
    "tpu.region"() ({
      %run_scoped3A_85 = tpu.sem_alloc : memref<!tpu.dma_semaphore, #tpu.memory_space<semaphore_mem>>
      %dma_start3A = arith.constant 0 : i32
      %dma_start3A_86 = tpu.memref_slice %arg13[%add3A_17, %dma_start3A] : memref<10240x128xf32, #tpu.memory_space<vmem_shared>> -> memref<80x128xf32, #tpu.memory_space<vmem_shared>>
      tpu.enqueue_dma source(%arg8 : memref<80x128xf32, #tpu.memory_space<hbm>>) target(%dma_start3A_86 : memref<80x128xf32, #tpu.memory_space<vmem_shared>>) target_semaphore(%run_scoped3A_85 : memref<!tpu.dma_semaphore, #tpu.memory_space<semaphore_mem>>)
      %dma_wait3A = arith.constant 0 : i32
      %dma_wait3A_87 = tpu.memref_slice %arg13[%add3A_17, %dma_wait3A] : memref<10240x128xf32, #tpu.memory_space<vmem_shared>> -> memref<80x128xf32, #tpu.memory_space<vmem_shared>>
      tpu.wait_dma2 semaphore(%run_scoped3A_85 : memref<!tpu.dma_semaphore, #tpu.memory_space<semaphore_mem>>) src(%arg8 : memref<80x128xf32, #tpu.memory_space<hbm>>) dst(%dma_wait3A_87 : memref<80x128xf32, #tpu.memory_space<vmem_shared>>)
      tpu.yield
    }) : () -> ()
    %mul3A_18 = arith.constant 640 : i32
    %mul3A_19 = arith.muli %arg1, %mul3A_18 : i32
    %add3A_20 = arith.constant 400 : i32
    %add3A_21 = arith.addi %mul3A_19, %add3A_20 : i32
    "tpu.region"() ({
      %run_scoped3A_85 = tpu.sem_alloc : memref<!tpu.dma_semaphore, #tpu.memory_space<semaphore_mem>>
      %dma_start3A = arith.constant 0 : i32
      %dma_start3A_86 = tpu.memref_slice %arg13[%add3A_21, %dma_start3A] : memref<10240x128xf32, #tpu.memory_space<vmem_shared>> -> memref<80x128xf32, #tpu.memory_space<vmem_shared>>
      tpu.enqueue_dma source(%arg8 : memref<80x128xf32, #tpu.memory_space<hbm>>) target(%dma_start3A_86 : memref<80x128xf32, #tpu.memory_space<vmem_shared>>) target_semaphore(%run_scoped3A_85 : memref<!tpu.dma_semaphore, #tpu.memory_space<semaphore_mem>>)
      %dma_wait3A = arith.constant 0 : i32
      %dma_wait3A_87 = tpu.memref_slice %arg13[%add3A_21, %dma_wait3A] : memref<10240x128xf32, #tpu.memory_space<vmem_shared>> -> memref<80x128xf32, #tpu.memory_space<vmem_shared>>
      tpu.wait_dma2 semaphore(%run_scoped3A_85 : memref<!tpu.dma_semaphore, #tpu.memory_space<semaphore_mem>>) src(%arg8 : memref<80x128xf32, #tpu.memory_space<hbm>>) dst(%dma_wait3A_87 : memref<80x128xf32, #tpu.memory_space<vmem_shared>>)
      tpu.yield
    }) : () -> ()
    %mul3A_22 = arith.constant 640 : i32
    %mul3A_23 = arith.muli %arg1, %mul3A_22 : i32
    %add3A_24 = arith.constant 480 : i32
    %add3A_25 = arith.addi %mul3A_23, %add3A_24 : i32
    "tpu.region"() ({
      %run_scoped3A_85 = tpu.sem_alloc : memref<!tpu.dma_semaphore, #tpu.memory_space<semaphore_mem>>
      %dma_start3A = arith.constant 0 : i32
      %dma_start3A_86 = tpu.memref_slice %arg13[%add3A_25, %dma_start3A] : memref<10240x128xf32, #tpu.memory_space<vmem_shared>> -> memref<80x128xf32, #tpu.memory_space<vmem_shared>>
      tpu.enqueue_dma source(%arg8 : memref<80x128xf32, #tpu.memory_space<hbm>>) target(%dma_start3A_86 : memref<80x128xf32, #tpu.memory_space<vmem_shared>>) target_semaphore(%run_scoped3A_85 : memref<!tpu.dma_semaphore, #tpu.memory_space<semaphore_mem>>)
      %dma_wait3A = arith.constant 0 : i32
      %dma_wait3A_87 = tpu.memref_slice %arg13[%add3A_25, %dma_wait3A] : memref<10240x128xf32, #tpu.memory_space<vmem_shared>> -> memref<80x128xf32, #tpu.memory_space<vmem_shared>>
      tpu.wait_dma2 semaphore(%run_scoped3A_85 : memref<!tpu.dma_semaphore, #tpu.memory_space<semaphore_mem>>) src(%arg8 : memref<80x128xf32, #tpu.memory_space<hbm>>) dst(%dma_wait3A_87 : memref<80x128xf32, #tpu.memory_space<vmem_shared>>)
      tpu.yield
    }) : () -> ()
    %mul3A_26 = arith.constant 640 : i32
    %mul3A_27 = arith.muli %arg1, %mul3A_26 : i32
    %add3A_28 = arith.constant 560 : i32
    %add3A_29 = arith.addi %mul3A_27, %add3A_28 : i32
    "tpu.region"() ({
      %run_scoped3A_85 = tpu.sem_alloc : memref<!tpu.dma_semaphore, #tpu.memory_space<semaphore_mem>>
      %dma_start3A = arith.constant 0 : i32
      %dma_start3A_86 = tpu.memref_slice %arg13[%add3A_29, %dma_start3A] : memref<10240x128xf32, #tpu.memory_space<vmem_shared>> -> memref<80x128xf32, #tpu.memory_space<vmem_shared>>
      tpu.enqueue_dma source(%arg8 : memref<80x128xf32, #tpu.memory_space<hbm>>) target(%dma_start3A_86 : memref<80x128xf32, #tpu.memory_space<vmem_shared>>) target_semaphore(%run_scoped3A_85 : memref<!tpu.dma_semaphore, #tpu.memory_space<semaphore_mem>>)
      %dma_wait3A = arith.constant 0 : i32
      %dma_wait3A_87 = tpu.memref_slice %arg13[%add3A_29, %dma_wait3A] : memref<10240x128xf32, #tpu.memory_space<vmem_shared>> -> memref<80x128xf32, #tpu.memory_space<vmem_shared>>
      tpu.wait_dma2 semaphore(%run_scoped3A_85 : memref<!tpu.dma_semaphore, #tpu.memory_space<semaphore_mem>>) src(%arg8 : memref<80x128xf32, #tpu.memory_space<hbm>>) dst(%dma_wait3A_87 : memref<80x128xf32, #tpu.memory_space<vmem_shared>>)
      tpu.yield
    }) : () -> ()
    %barrier3A = arith.constant 0 : index
    tpu.barrier barrier_id(%barrier3A)
    %scan3A = arith.constant 0 : i32
    %scan3A_30 = arith.constant 0 : i32
    %scan3A_31 = arith.constant 125 : i32
    %scan3A_32 = arith.addi %scan3A_30, %scan3A_31 : i32
    %scan3A_33 = arith.constant 1 : i32
    scf.for %scan3A_85 = %scan3A_30 to %scan3A_32 step %scan3A_33  : i32 {
      %eq3A = arith.constant 0 : i32
      %eq3A_86 = arith.cmpi eq, %arg0, %eq3A : i32
      %convert_element_type3A = arith.extui %eq3A_86 : i1 to i32
      %cond3A = arith.constant 0 : i32
      %cond3A_87 = arith.cmpi ne, %convert_element_type3A, %cond3A : i32
      scf.if %cond3A_87 {
        %dma_start3A = arith.constant 0 : i32
        %dma_start3A_93 = tpu.memref_slice %arg10[%scan3A_85, %dma_start3A] : memref<125x80xi32, #tpu.memory_space<vmem>> -> memref<1x80xi32, #tpu.memory_space<vmem>>
        %dma_start3A_94 = tpu.memref_squeeze %dma_start3A_93 : memref<1x80xi32, #tpu.memory_space<vmem>> -> memref<80xi32, #tpu.memory_space<vmem>>
        %dma_start3A_95 = arith.constant 0 : i32
        %dma_start3A_96 = arith.constant 0 : i32
        %dma_start3A_97 = tpu.memref_slice %arg2[%dma_start3A_95, %dma_start3A_96] : memref<10000x128xf32, #tpu.memory_space<hbm>> -> memref<10000x128xf32, #tpu.memory_space<hbm>>
        tpu.enqueue_indirect_dma source(%dma_start3A_97 : memref<10000x128xf32, #tpu.memory_space<hbm>>) target(%arg12 : memref<80x128xf32, #tpu.memory_space<vmem>>) offsets(%dma_start3A_94 : memref<80xi32, #tpu.memory_space<vmem>>) semaphore(%arg14 : memref<!tpu.dma_semaphore, #tpu.memory_space<semaphore_mem>>)
        %dma_wait3A = arith.constant 0 : i32
        %dma_wait3A_98 = tpu.memref_slice %arg10[%scan3A_85, %dma_wait3A] : memref<125x80xi32, #tpu.memory_space<vmem>> -> memref<1x80xi32, #tpu.memory_space<vmem>>
        %dma_wait3A_99 = tpu.memref_squeeze %dma_wait3A_98 : memref<1x80xi32, #tpu.memory_space<vmem>> -> memref<80xi32, #tpu.memory_space<vmem>>
        %dma_wait3A_100 = arith.constant 0 : i32
        %dma_wait3A_101 = arith.constant 0 : i32
        %dma_wait3A_102 = tpu.memref_slice %arg2[%dma_wait3A_100, %dma_wait3A_101] : memref<10000x128xf32, #tpu.memory_space<hbm>> -> memref<10000x128xf32, #tpu.memory_space<hbm>>
        tpu.wait_indirect_dma semaphore(%arg14 : memref<!tpu.dma_semaphore, #tpu.memory_space<semaphore_mem>>) src(%dma_wait3A_102 : memref<10000x128xf32, #tpu.memory_space<hbm>>) dst(%arg12 : memref<80x128xf32, #tpu.memory_space<vmem>>)
      } else {
      }
      %eq3A_88 = arith.constant 1 : i32
      %eq3A_89 = arith.cmpi eq, %arg0, %eq3A_88 : i32
      %convert_element_type3A_90 = arith.extui %eq3A_89 : i1 to i32
      %cond3A_91 = arith.constant 0 : i32
      %cond3A_92 = arith.cmpi ne, %convert_element_type3A_90, %cond3A_91 : i32
      scf.if %cond3A_92 {
        %dma_start3A = arith.constant 0 : i32
        %dma_start3A_93 = tpu.memref_slice %arg10[%scan3A_85, %dma_start3A] : memref<125x80xi32, #tpu.memory_space<vmem>> -> memref<1x80xi32, #tpu.memory_space<vmem>>
        %dma_start3A_94 = tpu.memref_squeeze %dma_start3A_93 : memref<1x80xi32, #tpu.memory_space<vmem>> -> memref<80xi32, #tpu.memory_space<vmem>>
        %dma_start3A_95 = arith.constant 0 : i32
        %dma_start3A_96 = arith.constant 0 : i32
        %dma_start3A_97 = tpu.memref_slice %arg4[%dma_start3A_95, %dma_start3A_96] : memref<10000x128xf32, #tpu.memory_space<hbm>> -> memref<10000x128xf32, #tpu.memory_space<hbm>>
        tpu.enqueue_indirect_dma source(%dma_start3A_97 : memref<10000x128xf32, #tpu.memory_space<hbm>>) target(%arg12 : memref<80x128xf32, #tpu.memory_space<vmem>>) offsets(%dma_start3A_94 : memref<80xi32, #tpu.memory_space<vmem>>) semaphore(%arg14 : memref<!tpu.dma_semaphore, #tpu.memory_space<semaphore_mem>>)
        %dma_wait3A = arith.constant 0 : i32
        %dma_wait3A_98 = tpu.memref_slice %arg10[%scan3A_85, %dma_wait3A] : memref<125x80xi32, #tpu.memory_space<vmem>> -> memref<1x80xi32, #tpu.memory_space<vmem>>
        %dma_wait3A_99 = tpu.memref_squeeze %dma_wait3A_98 : memref<1x80xi32, #tpu.memory_space<vmem>> -> memref<80xi32, #tpu.memory_space<vmem>>
        %dma_wait3A_100 = arith.constant 0 : i32
        %dma_wait3A_101 = arith.constant 0 : i32
        %dma_wait3A_102 = tpu.memref_slice %arg4[%dma_wait3A_100, %dma_wait3A_101] : memref<10000x128xf32, #tpu.memory_space<hbm>> -> memref<10000x128xf32, #tpu.memory_space<hbm>>
        tpu.wait_indirect_dma semaphore(%arg14 : memref<!tpu.dma_semaphore, #tpu.memory_space<semaphore_mem>>) src(%dma_wait3A_102 : memref<10000x128xf32, #tpu.memory_space<hbm>>) dst(%arg12 : memref<80x128xf32, #tpu.memory_space<vmem>>)
      } else {
      }
      "tpu.region"() ({
        %run_scoped3A_93 = tpu.sem_alloc : memref<!tpu.dma_semaphore, #tpu.memory_space<semaphore_mem>>
        %dma_start3A = arith.constant 0 : i32
        %dma_start3A_94 = tpu.memref_slice %arg11[%scan3A_85, %dma_start3A] : memref<125x80xi32, #tpu.memory_space<vmem>> -> memref<1x80xi32, #tpu.memory_space<vmem>>
        %dma_start3A_95 = tpu.memref_squeeze %dma_start3A_94 : memref<1x80xi32, #tpu.memory_space<vmem>> -> memref<80xi32, #tpu.memory_space<vmem>>
        %dma_start3A_96 = arith.constant 0 : i32
        %dma_start3A_97 = arith.constant 0 : i32
        %dma_start3A_98 = tpu.memref_slice %arg13[%dma_start3A_96, %dma_start3A_97] : memref<10240x128xf32, #tpu.memory_space<vmem_shared>> -> memref<10240x128xf32, #tpu.memory_space<vmem_shared>>
        tpu.enqueue_indirect_dma source(%arg12 : memref<80x128xf32, #tpu.memory_space<vmem>>) target(%dma_start3A_98 : memref<10240x128xf32, #tpu.memory_space<vmem_shared>>) offsets(%dma_start3A_95 : memref<80xi32, #tpu.memory_space<vmem>>) semaphore(%run_scoped3A_93 : memref<!tpu.dma_semaphore, #tpu.memory_space<semaphore_mem>>) {add = true}
        %dma_wait3A = arith.constant 0 : i32
        %dma_wait3A_99 = tpu.memref_slice %arg11[%scan3A_85, %dma_wait3A] : memref<125x80xi32, #tpu.memory_space<vmem>> -> memref<1x80xi32, #tpu.memory_space<vmem>>
        %dma_wait3A_100 = tpu.memref_squeeze %dma_wait3A_99 : memref<1x80xi32, #tpu.memory_space<vmem>> -> memref<80xi32, #tpu.memory_space<vmem>>
        %dma_wait3A_101 = arith.constant 0 : i32
        %dma_wait3A_102 = arith.constant 0 : i32
        %dma_wait3A_103 = tpu.memref_slice %arg13[%dma_wait3A_101, %dma_wait3A_102] : memref<10240x128xf32, #tpu.memory_space<vmem_shared>> -> memref<10240x128xf32, #tpu.memory_space<vmem_shared>>
        tpu.wait_indirect_dma semaphore(%run_scoped3A_93 : memref<!tpu.dma_semaphore, #tpu.memory_space<semaphore_mem>>) src(%arg12 : memref<80x128xf32, #tpu.memory_space<vmem>>) dst(%dma_wait3A_103 : memref<10240x128xf32, #tpu.memory_space<vmem_shared>>)
        tpu.yield
      }) : () -> ()
    }
    %scan3A_34 = arith.constant 125 : i32
    %barrier3A_35 = arith.constant 0 : index
    tpu.barrier barrier_id(%barrier3A_35)
    %mul3A_36 = arith.constant 640 : i32
    %mul3A_37 = arith.muli %arg1, %mul3A_36 : i32
    %mul3A_38 = arith.constant 640 : i32
    %mul3A_39 = arith.muli %arg1, %mul3A_38 : i32
    %run_scoped3A = arith.constant 0 : i32
    "tpu.region"() ({
      %run_scoped3A_85 = tpu.sem_alloc : memref<!tpu.dma_semaphore, #tpu.memory_space<semaphore_mem>>
      %dma_start3A = arith.constant 0 : i32
      %dma_start3A_86 = tpu.memref_slice %arg9[%arg0, %run_scoped3A, %mul3A_39, %dma_start3A] : memref<2x2x10240x128xf32, #tpu.memory_space<hbm>> -> memref<1x1x640x128xf32, #tpu.memory_space<hbm>>
      %dma_start3A_87 = tpu.memref_squeeze %dma_start3A_86 : memref<1x1x640x128xf32, #tpu.memory_space<hbm>> -> memref<640x128xf32, #tpu.memory_space<hbm>>
      %dma_start3A_88 = arith.constant 0 : i32
      %dma_start3A_89 = tpu.memref_slice %arg13[%mul3A_37, %dma_start3A_88] : memref<10240x128xf32, #tpu.memory_space<vmem_shared>> -> memref<640x128xf32, #tpu.memory_space<vmem_shared>>
      tpu.enqueue_dma source(%dma_start3A_89 : memref<640x128xf32, #tpu.memory_space<vmem_shared>>) target(%dma_start3A_87 : memref<640x128xf32, #tpu.memory_space<hbm>>) target_semaphore(%run_scoped3A_85 : memref<!tpu.dma_semaphore, #tpu.memory_space<semaphore_mem>>)
      %dma_wait3A = arith.constant 0 : i32
      %dma_wait3A_90 = tpu.memref_slice %arg9[%arg0, %run_scoped3A, %mul3A_39, %dma_wait3A] : memref<2x2x10240x128xf32, #tpu.memory_space<hbm>> -> memref<1x1x640x128xf32, #tpu.memory_space<hbm>>
      %dma_wait3A_91 = tpu.memref_squeeze %dma_wait3A_90 : memref<1x1x640x128xf32, #tpu.memory_space<hbm>> -> memref<640x128xf32, #tpu.memory_space<hbm>>
      %dma_wait3A_92 = arith.constant 0 : i32
      %dma_wait3A_93 = tpu.memref_slice %arg13[%mul3A_37, %dma_wait3A_92] : memref<10240x128xf32, #tpu.memory_space<vmem_shared>> -> memref<640x128xf32, #tpu.memory_space<vmem_shared>>
      tpu.wait_dma2 semaphore(%run_scoped3A_85 : memref<!tpu.dma_semaphore, #tpu.memory_space<semaphore_mem>>) src(%dma_wait3A_93 : memref<640x128xf32, #tpu.memory_space<vmem_shared>>) dst(%dma_wait3A_91 : memref<640x128xf32, #tpu.memory_space<hbm>>)
      tpu.yield
    }) : () -> ()
    %mul3A_40 = arith.constant 640 : i32
    %mul3A_41 = arith.muli %arg1, %mul3A_40 : i32
    %add3A_42 = arith.constant 0 : i32
    %add3A_43 = arith.addi %mul3A_41, %add3A_42 : i32
    "tpu.region"() ({
      %run_scoped3A_85 = tpu.sem_alloc : memref<!tpu.dma_semaphore, #tpu.memory_space<semaphore_mem>>
      %dma_start3A = arith.constant 0 : i32
      %dma_start3A_86 = tpu.memref_slice %arg13[%add3A_43, %dma_start3A] : memref<10240x128xf32, #tpu.memory_space<vmem_shared>> -> memref<80x128xf32, #tpu.memory_space<vmem_shared>>
      tpu.enqueue_dma source(%arg8 : memref<80x128xf32, #tpu.memory_space<hbm>>) target(%dma_start3A_86 : memref<80x128xf32, #tpu.memory_space<vmem_shared>>) target_semaphore(%run_scoped3A_85 : memref<!tpu.dma_semaphore, #tpu.memory_space<semaphore_mem>>)
      %dma_wait3A = arith.constant 0 : i32
      %dma_wait3A_87 = tpu.memref_slice %arg13[%add3A_43, %dma_wait3A] : memref<10240x128xf32, #tpu.memory_space<vmem_shared>> -> memref<80x128xf32, #tpu.memory_space<vmem_shared>>
      tpu.wait_dma2 semaphore(%run_scoped3A_85 : memref<!tpu.dma_semaphore, #tpu.memory_space<semaphore_mem>>) src(%arg8 : memref<80x128xf32, #tpu.memory_space<hbm>>) dst(%dma_wait3A_87 : memref<80x128xf32, #tpu.memory_space<vmem_shared>>)
      tpu.yield
    }) : () -> ()
    %mul3A_44 = arith.constant 640 : i32
    %mul3A_45 = arith.muli %arg1, %mul3A_44 : i32
    %add3A_46 = arith.constant 80 : i32
    %add3A_47 = arith.addi %mul3A_45, %add3A_46 : i32
    "tpu.region"() ({
      %run_scoped3A_85 = tpu.sem_alloc : memref<!tpu.dma_semaphore, #tpu.memory_space<semaphore_mem>>
      %dma_start3A = arith.constant 0 : i32
      %dma_start3A_86 = tpu.memref_slice %arg13[%add3A_47, %dma_start3A] : memref<10240x128xf32, #tpu.memory_space<vmem_shared>> -> memref<80x128xf32, #tpu.memory_space<vmem_shared>>
      tpu.enqueue_dma source(%arg8 : memref<80x128xf32, #tpu.memory_space<hbm>>) target(%dma_start3A_86 : memref<80x128xf32, #tpu.memory_space<vmem_shared>>) target_semaphore(%run_scoped3A_85 : memref<!tpu.dma_semaphore, #tpu.memory_space<semaphore_mem>>)
      %dma_wait3A = arith.constant 0 : i32
      %dma_wait3A_87 = tpu.memref_slice %arg13[%add3A_47, %dma_wait3A] : memref<10240x128xf32, #tpu.memory_space<vmem_shared>> -> memref<80x128xf32, #tpu.memory_space<vmem_shared>>
      tpu.wait_dma2 semaphore(%run_scoped3A_85 : memref<!tpu.dma_semaphore, #tpu.memory_space<semaphore_mem>>) src(%arg8 : memref<80x128xf32, #tpu.memory_space<hbm>>) dst(%dma_wait3A_87 : memref<80x128xf32, #tpu.memory_space<vmem_shared>>)
      tpu.yield
    }) : () -> ()
    %mul3A_48 = arith.constant 640 : i32
    %mul3A_49 = arith.muli %arg1, %mul3A_48 : i32
    %add3A_50 = arith.constant 160 : i32
    %add3A_51 = arith.addi %mul3A_49, %add3A_50 : i32
    "tpu.region"() ({
      %run_scoped3A_85 = tpu.sem_alloc : memref<!tpu.dma_semaphore, #tpu.memory_space<semaphore_mem>>
      %dma_start3A = arith.constant 0 : i32
      %dma_start3A_86 = tpu.memref_slice %arg13[%add3A_51, %dma_start3A] : memref<10240x128xf32, #tpu.memory_space<vmem_shared>> -> memref<80x128xf32, #tpu.memory_space<vmem_shared>>
      tpu.enqueue_dma source(%arg8 : memref<80x128xf32, #tpu.memory_space<hbm>>) target(%dma_start3A_86 : memref<80x128xf32, #tpu.memory_space<vmem_shared>>) target_semaphore(%run_scoped3A_85 : memref<!tpu.dma_semaphore, #tpu.memory_space<semaphore_mem>>)
      %dma_wait3A = arith.constant 0 : i32
      %dma_wait3A_87 = tpu.memref_slice %arg13[%add3A_51, %dma_wait3A] : memref<10240x128xf32, #tpu.memory_space<vmem_shared>> -> memref<80x128xf32, #tpu.memory_space<vmem_shared>>
      tpu.wait_dma2 semaphore(%run_scoped3A_85 : memref<!tpu.dma_semaphore, #tpu.memory_space<semaphore_mem>>) src(%arg8 : memref<80x128xf32, #tpu.memory_space<hbm>>) dst(%dma_wait3A_87 : memref<80x128xf32, #tpu.memory_space<vmem_shared>>)
      tpu.yield
    }) : () -> ()
    %mul3A_52 = arith.constant 640 : i32
    %mul3A_53 = arith.muli %arg1, %mul3A_52 : i32
    %add3A_54 = arith.constant 240 : i32
    %add3A_55 = arith.addi %mul3A_53, %add3A_54 : i32
    "tpu.region"() ({
      %run_scoped3A_85 = tpu.sem_alloc : memref<!tpu.dma_semaphore, #tpu.memory_space<semaphore_mem>>
      %dma_start3A = arith.constant 0 : i32
      %dma_start3A_86 = tpu.memref_slice %arg13[%add3A_55, %dma_start3A] : memref<10240x128xf32, #tpu.memory_space<vmem_shared>> -> memref<80x128xf32, #tpu.memory_space<vmem_shared>>
      tpu.enqueue_dma source(%arg8 : memref<80x128xf32, #tpu.memory_space<hbm>>) target(%dma_start3A_86 : memref<80x128xf32, #tpu.memory_space<vmem_shared>>) target_semaphore(%run_scoped3A_85 : memref<!tpu.dma_semaphore, #tpu.memory_space<semaphore_mem>>)
      %dma_wait3A = arith.constant 0 : i32
      %dma_wait3A_87 = tpu.memref_slice %arg13[%add3A_55, %dma_wait3A] : memref<10240x128xf32, #tpu.memory_space<vmem_shared>> -> memref<80x128xf32, #tpu.memory_space<vmem_shared>>
      tpu.wait_dma2 semaphore(%run_scoped3A_85 : memref<!tpu.dma_semaphore, #tpu.memory_space<semaphore_mem>>) src(%arg8 : memref<80x128xf32, #tpu.memory_space<hbm>>) dst(%dma_wait3A_87 : memref<80x128xf32, #tpu.memory_space<vmem_shared>>)
      tpu.yield
    }) : () -> ()
    %mul3A_56 = arith.constant 640 : i32
    %mul3A_57 = arith.muli %arg1, %mul3A_56 : i32
    %add3A_58 = arith.constant 320 : i32
    %add3A_59 = arith.addi %mul3A_57, %add3A_58 : i32
    "tpu.region"() ({
      %run_scoped3A_85 = tpu.sem_alloc : memref<!tpu.dma_semaphore, #tpu.memory_space<semaphore_mem>>
      %dma_start3A = arith.constant 0 : i32
      %dma_start3A_86 = tpu.memref_slice %arg13[%add3A_59, %dma_start3A] : memref<10240x128xf32, #tpu.memory_space<vmem_shared>> -> memref<80x128xf32, #tpu.memory_space<vmem_shared>>
      tpu.enqueue_dma source(%arg8 : memref<80x128xf32, #tpu.memory_space<hbm>>) target(%dma_start3A_86 : memref<80x128xf32, #tpu.memory_space<vmem_shared>>) target_semaphore(%run_scoped3A_85 : memref<!tpu.dma_semaphore, #tpu.memory_space<semaphore_mem>>)
      %dma_wait3A = arith.constant 0 : i32
      %dma_wait3A_87 = tpu.memref_slice %arg13[%add3A_59, %dma_wait3A] : memref<10240x128xf32, #tpu.memory_space<vmem_shared>> -> memref<80x128xf32, #tpu.memory_space<vmem_shared>>
      tpu.wait_dma2 semaphore(%run_scoped3A_85 : memref<!tpu.dma_semaphore, #tpu.memory_space<semaphore_mem>>) src(%arg8 : memref<80x128xf32, #tpu.memory_space<hbm>>) dst(%dma_wait3A_87 : memref<80x128xf32, #tpu.memory_space<vmem_shared>>)
      tpu.yield
    }) : () -> ()
    %mul3A_60 = arith.constant 640 : i32
    %mul3A_61 = arith.muli %arg1, %mul3A_60 : i32
    %add3A_62 = arith.constant 400 : i32
    %add3A_63 = arith.addi %mul3A_61, %add3A_62 : i32
    "tpu.region"() ({
      %run_scoped3A_85 = tpu.sem_alloc : memref<!tpu.dma_semaphore, #tpu.memory_space<semaphore_mem>>
      %dma_start3A = arith.constant 0 : i32
      %dma_start3A_86 = tpu.memref_slice %arg13[%add3A_63, %dma_start3A] : memref<10240x128xf32, #tpu.memory_space<vmem_shared>> -> memref<80x128xf32, #tpu.memory_space<vmem_shared>>
      tpu.enqueue_dma source(%arg8 : memref<80x128xf32, #tpu.memory_space<hbm>>) target(%dma_start3A_86 : memref<80x128xf32, #tpu.memory_space<vmem_shared>>) target_semaphore(%run_scoped3A_85 : memref<!tpu.dma_semaphore, #tpu.memory_space<semaphore_mem>>)
      %dma_wait3A = arith.constant 0 : i32
      %dma_wait3A_87 = tpu.memref_slice %arg13[%add3A_63, %dma_wait3A] : memref<10240x128xf32, #tpu.memory_space<vmem_shared>> -> memref<80x128xf32, #tpu.memory_space<vmem_shared>>
      tpu.wait_dma2 semaphore(%run_scoped3A_85 : memref<!tpu.dma_semaphore, #tpu.memory_space<semaphore_mem>>) src(%arg8 : memref<80x128xf32, #tpu.memory_space<hbm>>) dst(%dma_wait3A_87 : memref<80x128xf32, #tpu.memory_space<vmem_shared>>)
      tpu.yield
    }) : () -> ()
    %mul3A_64 = arith.constant 640 : i32
    %mul3A_65 = arith.muli %arg1, %mul3A_64 : i32
    %add3A_66 = arith.constant 480 : i32
    %add3A_67 = arith.addi %mul3A_65, %add3A_66 : i32
    "tpu.region"() ({
      %run_scoped3A_85 = tpu.sem_alloc : memref<!tpu.dma_semaphore, #tpu.memory_space<semaphore_mem>>
      %dma_start3A = arith.constant 0 : i32
      %dma_start3A_86 = tpu.memref_slice %arg13[%add3A_67, %dma_start3A] : memref<10240x128xf32, #tpu.memory_space<vmem_shared>> -> memref<80x128xf32, #tpu.memory_space<vmem_shared>>
      tpu.enqueue_dma source(%arg8 : memref<80x128xf32, #tpu.memory_space<hbm>>) target(%dma_start3A_86 : memref<80x128xf32, #tpu.memory_space<vmem_shared>>) target_semaphore(%run_scoped3A_85 : memref<!tpu.dma_semaphore, #tpu.memory_space<semaphore_mem>>)
      %dma_wait3A = arith.constant 0 : i32
      %dma_wait3A_87 = tpu.memref_slice %arg13[%add3A_67, %dma_wait3A] : memref<10240x128xf32, #tpu.memory_space<vmem_shared>> -> memref<80x128xf32, #tpu.memory_space<vmem_shared>>
      tpu.wait_dma2 semaphore(%run_scoped3A_85 : memref<!tpu.dma_semaphore, #tpu.memory_space<semaphore_mem>>) src(%arg8 : memref<80x128xf32, #tpu.memory_space<hbm>>) dst(%dma_wait3A_87 : memref<80x128xf32, #tpu.memory_space<vmem_shared>>)
      tpu.yield
    }) : () -> ()
    %mul3A_68 = arith.constant 640 : i32
    %mul3A_69 = arith.muli %arg1, %mul3A_68 : i32
    %add3A_70 = arith.constant 560 : i32
    %add3A_71 = arith.addi %mul3A_69, %add3A_70 : i32
    "tpu.region"() ({
      %run_scoped3A_85 = tpu.sem_alloc : memref<!tpu.dma_semaphore, #tpu.memory_space<semaphore_mem>>
      %dma_start3A = arith.constant 0 : i32
      %dma_start3A_86 = tpu.memref_slice %arg13[%add3A_71, %dma_start3A] : memref<10240x128xf32, #tpu.memory_space<vmem_shared>> -> memref<80x128xf32, #tpu.memory_space<vmem_shared>>
      tpu.enqueue_dma source(%arg8 : memref<80x128xf32, #tpu.memory_space<hbm>>) target(%dma_start3A_86 : memref<80x128xf32, #tpu.memory_space<vmem_shared>>) target_semaphore(%run_scoped3A_85 : memref<!tpu.dma_semaphore, #tpu.memory_space<semaphore_mem>>)
      %dma_wait3A = arith.constant 0 : i32
      %dma_wait3A_87 = tpu.memref_slice %arg13[%add3A_71, %dma_wait3A] : memref<10240x128xf32, #tpu.memory_space<vmem_shared>> -> memref<80x128xf32, #tpu.memory_space<vmem_shared>>
      tpu.wait_dma2 semaphore(%run_scoped3A_85 : memref<!tpu.dma_semaphore, #tpu.memory_space<semaphore_mem>>) src(%arg8 : memref<80x128xf32, #tpu.memory_space<hbm>>) dst(%dma_wait3A_87 : memref<80x128xf32, #tpu.memory_space<vmem_shared>>)
      tpu.yield
    }) : () -> ()
    %barrier3A_72 = arith.constant 0 : index
    tpu.barrier barrier_id(%barrier3A_72)
    %scan3A_73 = arith.constant 0 : i32
    %scan3A_74 = arith.constant 0 : i32
    %scan3A_75 = arith.constant 125 : i32
    %scan3A_76 = arith.addi %scan3A_74, %scan3A_75 : i32
    %scan3A_77 = arith.constant 1 : i32
    scf.for %scan3A_85 = %scan3A_74 to %scan3A_76 step %scan3A_77  : i32 {
      %eq3A = arith.constant 0 : i32
      %eq3A_86 = arith.cmpi eq, %arg0, %eq3A : i32
      %convert_element_type3A = arith.extui %eq3A_86 : i1 to i32
      %cond3A = arith.constant 0 : i32
      %cond3A_87 = arith.cmpi ne, %convert_element_type3A, %cond3A : i32
      scf.if %cond3A_87 {
        %dma_start3A = arith.constant 0 : i32
        %dma_start3A_93 = tpu.memref_slice %arg10[%scan3A_85, %dma_start3A] : memref<125x80xi32, #tpu.memory_space<vmem>> -> memref<1x80xi32, #tpu.memory_space<vmem>>
        %dma_start3A_94 = tpu.memref_squeeze %dma_start3A_93 : memref<1x80xi32, #tpu.memory_space<vmem>> -> memref<80xi32, #tpu.memory_space<vmem>>
        %dma_start3A_95 = arith.constant 0 : i32
        %dma_start3A_96 = arith.constant 0 : i32
        %dma_start3A_97 = tpu.memref_slice %arg3[%dma_start3A_95, %dma_start3A_96] : memref<10000x128xf32, #tpu.memory_space<hbm>> -> memref<10000x128xf32, #tpu.memory_space<hbm>>
        tpu.enqueue_indirect_dma source(%dma_start3A_97 : memref<10000x128xf32, #tpu.memory_space<hbm>>) target(%arg12 : memref<80x128xf32, #tpu.memory_space<vmem>>) offsets(%dma_start3A_94 : memref<80xi32, #tpu.memory_space<vmem>>) semaphore(%arg14 : memref<!tpu.dma_semaphore, #tpu.memory_space<semaphore_mem>>)
        %dma_wait3A = arith.constant 0 : i32
        %dma_wait3A_98 = tpu.memref_slice %arg10[%scan3A_85, %dma_wait3A] : memref<125x80xi32, #tpu.memory_space<vmem>> -> memref<1x80xi32, #tpu.memory_space<vmem>>
        %dma_wait3A_99 = tpu.memref_squeeze %dma_wait3A_98 : memref<1x80xi32, #tpu.memory_space<vmem>> -> memref<80xi32, #tpu.memory_space<vmem>>
        %dma_wait3A_100 = arith.constant 0 : i32
        %dma_wait3A_101 = arith.constant 0 : i32
        %dma_wait3A_102 = tpu.memref_slice %arg3[%dma_wait3A_100, %dma_wait3A_101] : memref<10000x128xf32, #tpu.memory_space<hbm>> -> memref<10000x128xf32, #tpu.memory_space<hbm>>
        tpu.wait_indirect_dma semaphore(%arg14 : memref<!tpu.dma_semaphore, #tpu.memory_space<semaphore_mem>>) src(%dma_wait3A_102 : memref<10000x128xf32, #tpu.memory_space<hbm>>) dst(%arg12 : memref<80x128xf32, #tpu.memory_space<vmem>>)
      } else {
      }
      %eq3A_88 = arith.constant 1 : i32
      %eq3A_89 = arith.cmpi eq, %arg0, %eq3A_88 : i32
      %convert_element_type3A_90 = arith.extui %eq3A_89 : i1 to i32
      %cond3A_91 = arith.constant 0 : i32
      %cond3A_92 = arith.cmpi ne, %convert_element_type3A_90, %cond3A_91 : i32
      scf.if %cond3A_92 {
        %dma_start3A = arith.constant 0 : i32
        %dma_start3A_93 = tpu.memref_slice %arg10[%scan3A_85, %dma_start3A] : memref<125x80xi32, #tpu.memory_space<vmem>> -> memref<1x80xi32, #tpu.memory_space<vmem>>
        %dma_start3A_94 = tpu.memref_squeeze %dma_start3A_93 : memref<1x80xi32, #tpu.memory_space<vmem>> -> memref<80xi32, #tpu.memory_space<vmem>>
        %dma_start3A_95 = arith.constant 0 : i32
        %dma_start3A_96 = arith.constant 0 : i32
        %dma_start3A_97 = tpu.memref_slice %arg5[%dma_start3A_95, %dma_start3A_96] : memref<10000x128xf32, #tpu.memory_space<hbm>> -> memref<10000x128xf32, #tpu.memory_space<hbm>>
        tpu.enqueue_indirect_dma source(%dma_start3A_97 : memref<10000x128xf32, #tpu.memory_space<hbm>>) target(%arg12 : memref<80x128xf32, #tpu.memory_space<vmem>>) offsets(%dma_start3A_94 : memref<80xi32, #tpu.memory_space<vmem>>) semaphore(%arg14 : memref<!tpu.dma_semaphore, #tpu.memory_space<semaphore_mem>>)
        %dma_wait3A = arith.constant 0 : i32
        %dma_wait3A_98 = tpu.memref_slice %arg10[%scan3A_85, %dma_wait3A] : memref<125x80xi32, #tpu.memory_space<vmem>> -> memref<1x80xi32, #tpu.memory_space<vmem>>
        %dma_wait3A_99 = tpu.memref_squeeze %dma_wait3A_98 : memref<1x80xi32, #tpu.memory_space<vmem>> -> memref<80xi32, #tpu.memory_space<vmem>>
        %dma_wait3A_100 = arith.constant 0 : i32
        %dma_wait3A_101 = arith.constant 0 : i32
        %dma_wait3A_102 = tpu.memref_slice %arg5[%dma_wait3A_100, %dma_wait3A_101] : memref<10000x128xf32, #tpu.memory_space<hbm>> -> memref<10000x128xf32, #tpu.memory_space<hbm>>
        tpu.wait_indirect_dma semaphore(%arg14 : memref<!tpu.dma_semaphore, #tpu.memory_space<semaphore_mem>>) src(%dma_wait3A_102 : memref<10000x128xf32, #tpu.memory_space<hbm>>) dst(%arg12 : memref<80x128xf32, #tpu.memory_space<vmem>>)
      } else {
      }
      "tpu.region"() ({
        %run_scoped3A_93 = tpu.sem_alloc : memref<!tpu.dma_semaphore, #tpu.memory_space<semaphore_mem>>
        %dma_start3A = arith.constant 0 : i32
        %dma_start3A_94 = tpu.memref_slice %arg11[%scan3A_85, %dma_start3A] : memref<125x80xi32, #tpu.memory_space<vmem>> -> memref<1x80xi32, #tpu.memory_space<vmem>>
        %dma_start3A_95 = tpu.memref_squeeze %dma_start3A_94 : memref<1x80xi32, #tpu.memory_space<vmem>> -> memref<80xi32, #tpu.memory_space<vmem>>
        %dma_start3A_96 = arith.constant 0 : i32
        %dma_start3A_97 = arith.constant 0 : i32
        %dma_start3A_98 = tpu.memref_slice %arg13[%dma_start3A_96, %dma_start3A_97] : memref<10240x128xf32, #tpu.memory_space<vmem_shared>> -> memref<10240x128xf32, #tpu.memory_space<vmem_shared>>
        tpu.enqueue_indirect_dma source(%arg12 : memref<80x128xf32, #tpu.memory_space<vmem>>) target(%dma_start3A_98 : memref<10240x128xf32, #tpu.memory_space<vmem_shared>>) offsets(%dma_start3A_95 : memref<80xi32, #tpu.memory_space<vmem>>) semaphore(%run_scoped3A_93 : memref<!tpu.dma_semaphore, #tpu.memory_space<semaphore_mem>>) {add = true}
        %dma_wait3A = arith.constant 0 : i32
        %dma_wait3A_99 = tpu.memref_slice %arg11[%scan3A_85, %dma_wait3A] : memref<125x80xi32, #tpu.memory_space<vmem>> -> memref<1x80xi32, #tpu.memory_space<vmem>>
        %dma_wait3A_100 = tpu.memref_squeeze %dma_wait3A_99 : memref<1x80xi32, #tpu.memory_space<vmem>> -> memref<80xi32, #tpu.memory_space<vmem>>
        %dma_wait3A_101 = arith.constant 0 : i32
        %dma_wait3A_102 = arith.constant 0 : i32
        %dma_wait3A_103 = tpu.memref_slice %arg13[%dma_wait3A_101, %dma_wait3A_102] : memref<10240x128xf32, #tpu.memory_space<vmem_shared>> -> memref<10240x128xf32, #tpu.memory_space<vmem_shared>>
        tpu.wait_indirect_dma semaphore(%run_scoped3A_93 : memref<!tpu.dma_semaphore, #tpu.memory_space<semaphore_mem>>) src(%arg12 : memref<80x128xf32, #tpu.memory_space<vmem>>) dst(%dma_wait3A_103 : memref<10240x128xf32, #tpu.memory_space<vmem_shared>>)
        tpu.yield
      }) : () -> ()
    }
    %scan3A_78 = arith.constant 125 : i32
    %barrier3A_79 = arith.constant 0 : index
    tpu.barrier barrier_id(%barrier3A_79)
    %mul3A_80 = arith.constant 640 : i32
    %mul3A_81 = arith.muli %arg1, %mul3A_80 : i32
    %mul3A_82 = arith.constant 640 : i32
    %mul3A_83 = arith.muli %arg1, %mul3A_82 : i32
    %run_scoped3A_84 = arith.constant 1 : i32
    "tpu.region"() ({
      %run_scoped3A_85 = tpu.sem_alloc : memref<!tpu.dma_semaphore, #tpu.memory_space<semaphore_mem>>
      %dma_start3A = arith.constant 0 : i32
      %dma_start3A_86 = tpu.memref_slice %arg9[%arg0, %run_scoped3A_84, %mul3A_83, %dma_start3A] : memref<2x2x10240x128xf32, #tpu.memory_space<hbm>> -> memref<1x1x640x128xf32, #tpu.memory_space<hbm>>
      %dma_start3A_87 = tpu.memref_squeeze %dma_start3A_86 : memref<1x1x640x128xf32, #tpu.memory_space<hbm>> -> memref<640x128xf32, #tpu.memory_space<hbm>>
      %dma_start3A_88 = arith.constant 0 : i32
      %dma_start3A_89 = tpu.memref_slice %arg13[%mul3A_81, %dma_start3A_88] : memref<10240x128xf32, #tpu.memory_space<vmem_shared>> -> memref<640x128xf32, #tpu.memory_space<vmem_shared>>
      tpu.enqueue_dma source(%dma_start3A_89 : memref<640x128xf32, #tpu.memory_space<vmem_shared>>) target(%dma_start3A_87 : memref<640x128xf32, #tpu.memory_space<hbm>>) target_semaphore(%run_scoped3A_85 : memref<!tpu.dma_semaphore, #tpu.memory_space<semaphore_mem>>)
      %dma_wait3A = arith.constant 0 : i32
      %dma_wait3A_90 = tpu.memref_slice %arg9[%arg0, %run_scoped3A_84, %mul3A_83, %dma_wait3A] : memref<2x2x10240x128xf32, #tpu.memory_space<hbm>> -> memref<1x1x640x128xf32, #tpu.memory_space<hbm>>
      %dma_wait3A_91 = tpu.memref_squeeze %dma_wait3A_90 : memref<1x1x640x128xf32, #tpu.memory_space<hbm>> -> memref<640x128xf32, #tpu.memory_space<hbm>>
      %dma_wait3A_92 = arith.constant 0 : i32
      %dma_wait3A_93 = tpu.memref_slice %arg13[%mul3A_81, %dma_wait3A_92] : memref<10240x128xf32, #tpu.memory_space<vmem_shared>> -> memref<640x128xf32, #tpu.memory_space<vmem_shared>>
      tpu.wait_dma2 semaphore(%run_scoped3A_85 : memref<!tpu.dma_semaphore, #tpu.memory_space<semaphore_mem>>) src(%dma_wait3A_93 : memref<640x128xf32, #tpu.memory_space<vmem_shared>>) dst(%dma_wait3A_91 : memref<640x128xf32, #tpu.memory_space<hbm>>)
      tpu.yield
    }) : () -> ()
    return
  }
}

#map = affine_map<(d0, d1) -> (0, 0)>
#map1 = affine_map<(d0, d1) -> (0, 0, 0)>
module attributes {stable_mosaic.version = 14 : i64} {
  func.func @_sc_layer1(%arg0: i32, %arg1: i32, %arg2: memref<10000x128xf32, #tpu.memory_space<hbm>>, %arg3: memref<10000x128xf32, #tpu.memory_space<hbm>>, %arg4: memref<16x125x80xi32, #tpu.memory_space<hbm>>, %arg5: memref<16x125x80xi32, #tpu.memory_space<hbm>>, %arg6: memref<80x128xf32, #tpu.memory_space<hbm>>, %arg7: memref<2x10240x128xf32, #tpu.memory_space<hbm>>, %arg8: memref<125x80xi32, #tpu.memory_space<vmem>>, %arg9: memref<125x80xi32, #tpu.memory_space<vmem>>, %arg10: memref<80x128xf32, #tpu.memory_space<vmem>>, %arg11: memref<10240x128xf32, #tpu.memory_space<vmem_shared>>, %arg12: memref<!tpu.dma_semaphore, #tpu.memory_space<semaphore_mem>>) attributes {dimension_semantics = [#tpu.dimension_semantics<core_parallel>, #tpu.dimension_semantics<subcore_parallel>], iteration_bounds = array<i64: 2, 16>, scalar_prefetch = 0 : i64, scratch_operands = 5 : i64, tpu.core_type = #tpu.core_type<sc_vector_subcore>, window_params = [{transform_indices = #map}, {transform_indices = #map}, {transform_indices = #map1}, {transform_indices = #map1}, {transform_indices = #map}, {transform_indices = #map1}]} {
    "tpu.region"() ({
      %run_scoped3A = tpu.sem_alloc : memref<!tpu.dma_semaphore, #tpu.memory_space<semaphore_mem>>
      %dma_start3A = arith.constant 0 : i32
      %dma_start3A_40 = arith.constant 0 : i32
      %dma_start3A_41 = tpu.memref_slice %arg4[%arg1, %dma_start3A, %dma_start3A_40] : memref<16x125x80xi32, #tpu.memory_space<hbm>> -> memref<1x125x80xi32, #tpu.memory_space<hbm>>
      %dma_start3A_42 = tpu.memref_squeeze %dma_start3A_41 : memref<1x125x80xi32, #tpu.memory_space<hbm>> -> memref<125x80xi32, #tpu.memory_space<hbm>>
      %dma_start3A_43 = arith.constant 0 : i32
      %dma_start3A_44 = arith.constant 0 : i32
      %dma_start3A_45 = tpu.memref_slice %arg4[%arg1, %dma_start3A_43, %dma_start3A_44] : memref<16x125x80xi32, #tpu.memory_space<hbm>> -> memref<1x125x80xi32, #tpu.memory_space<hbm>>
      %dma_start3A_46 = tpu.memref_squeeze %dma_start3A_45 : memref<1x125x80xi32, #tpu.memory_space<hbm>> -> memref<125x80xi32, #tpu.memory_space<hbm>>
      tpu.enqueue_dma source(%dma_start3A_46 : memref<125x80xi32, #tpu.memory_space<hbm>>) target(%arg8 : memref<125x80xi32, #tpu.memory_space<vmem>>) target_semaphore(%run_scoped3A : memref<!tpu.dma_semaphore, #tpu.memory_space<semaphore_mem>>)
      %dma_wait3A = arith.constant 0 : i32
      %dma_wait3A_47 = arith.constant 0 : i32
      %dma_wait3A_48 = tpu.memref_slice %arg4[%arg1, %dma_wait3A, %dma_wait3A_47] : memref<16x125x80xi32, #tpu.memory_space<hbm>> -> memref<1x125x80xi32, #tpu.memory_space<hbm>>
      %dma_wait3A_49 = tpu.memref_squeeze %dma_wait3A_48 : memref<1x125x80xi32, #tpu.memory_space<hbm>> -> memref<125x80xi32, #tpu.memory_space<hbm>>
      %dma_wait3A_50 = arith.constant 0 : i32
      %dma_wait3A_51 = arith.constant 0 : i32
      %dma_wait3A_52 = tpu.memref_slice %arg4[%arg1, %dma_wait3A_50, %dma_wait3A_51] : memref<16x125x80xi32, #tpu.memory_space<hbm>> -> memref<1x125x80xi32, #tpu.memory_space<hbm>>
      %dma_wait3A_53 = tpu.memref_squeeze %dma_wait3A_52 : memref<1x125x80xi32, #tpu.memory_space<hbm>> -> memref<125x80xi32, #tpu.memory_space<hbm>>
      tpu.wait_dma2 semaphore(%run_scoped3A : memref<!tpu.dma_semaphore, #tpu.memory_space<semaphore_mem>>) src(%dma_wait3A_53 : memref<125x80xi32, #tpu.memory_space<hbm>>) dst(%arg8 : memref<125x80xi32, #tpu.memory_space<vmem>>)
      tpu.yield
    }) : () -> ()
    "tpu.region"() ({
      %run_scoped3A = tpu.sem_alloc : memref<!tpu.dma_semaphore, #tpu.memory_space<semaphore_mem>>
      %dma_start3A = arith.constant 0 : i32
      %dma_start3A_40 = arith.constant 0 : i32
      %dma_start3A_41 = tpu.memref_slice %arg5[%arg1, %dma_start3A, %dma_start3A_40] : memref<16x125x80xi32, #tpu.memory_space<hbm>> -> memref<1x125x80xi32, #tpu.memory_space<hbm>>
      %dma_start3A_42 = tpu.memref_squeeze %dma_start3A_41 : memref<1x125x80xi32, #tpu.memory_space<hbm>> -> memref<125x80xi32, #tpu.memory_space<hbm>>
      %dma_start3A_43 = arith.constant 0 : i32
      %dma_start3A_44 = arith.constant 0 : i32
      %dma_start3A_45 = tpu.memref_slice %arg5[%arg1, %dma_start3A_43, %dma_start3A_44] : memref<16x125x80xi32, #tpu.memory_space<hbm>> -> memref<1x125x80xi32, #tpu.memory_space<hbm>>
      %dma_start3A_46 = tpu.memref_squeeze %dma_start3A_45 : memref<1x125x80xi32, #tpu.memory_space<hbm>> -> memref<125x80xi32, #tpu.memory_space<hbm>>
      tpu.enqueue_dma source(%dma_start3A_46 : memref<125x80xi32, #tpu.memory_space<hbm>>) target(%arg9 : memref<125x80xi32, #tpu.memory_space<vmem>>) target_semaphore(%run_scoped3A : memref<!tpu.dma_semaphore, #tpu.memory_space<semaphore_mem>>)
      %dma_wait3A = arith.constant 0 : i32
      %dma_wait3A_47 = arith.constant 0 : i32
      %dma_wait3A_48 = tpu.memref_slice %arg5[%arg1, %dma_wait3A, %dma_wait3A_47] : memref<16x125x80xi32, #tpu.memory_space<hbm>> -> memref<1x125x80xi32, #tpu.memory_space<hbm>>
      %dma_wait3A_49 = tpu.memref_squeeze %dma_wait3A_48 : memref<1x125x80xi32, #tpu.memory_space<hbm>> -> memref<125x80xi32, #tpu.memory_space<hbm>>
      %dma_wait3A_50 = arith.constant 0 : i32
      %dma_wait3A_51 = arith.constant 0 : i32
      %dma_wait3A_52 = tpu.memref_slice %arg5[%arg1, %dma_wait3A_50, %dma_wait3A_51] : memref<16x125x80xi32, #tpu.memory_space<hbm>> -> memref<1x125x80xi32, #tpu.memory_space<hbm>>
      %dma_wait3A_53 = tpu.memref_squeeze %dma_wait3A_52 : memref<1x125x80xi32, #tpu.memory_space<hbm>> -> memref<125x80xi32, #tpu.memory_space<hbm>>
      tpu.wait_dma2 semaphore(%run_scoped3A : memref<!tpu.dma_semaphore, #tpu.memory_space<semaphore_mem>>) src(%dma_wait3A_53 : memref<125x80xi32, #tpu.memory_space<hbm>>) dst(%arg9 : memref<125x80xi32, #tpu.memory_space<vmem>>)
      tpu.yield
    }) : () -> ()
    %mul3A = arith.constant 640 : i32
    %mul3A_0 = arith.muli %arg1, %mul3A : i32
    %add3A = arith.constant 0 : i32
    %add3A_1 = arith.addi %mul3A_0, %add3A : i32
    "tpu.region"() ({
      %run_scoped3A = tpu.sem_alloc : memref<!tpu.dma_semaphore, #tpu.memory_space<semaphore_mem>>
      %dma_start3A = arith.constant 0 : i32
      %dma_start3A_40 = tpu.memref_slice %arg11[%add3A_1, %dma_start3A] : memref<10240x128xf32, #tpu.memory_space<vmem_shared>> -> memref<80x128xf32, #tpu.memory_space<vmem_shared>>
      tpu.enqueue_dma source(%arg6 : memref<80x128xf32, #tpu.memory_space<hbm>>) target(%dma_start3A_40 : memref<80x128xf32, #tpu.memory_space<vmem_shared>>) target_semaphore(%run_scoped3A : memref<!tpu.dma_semaphore, #tpu.memory_space<semaphore_mem>>)
      %dma_wait3A = arith.constant 0 : i32
      %dma_wait3A_41 = tpu.memref_slice %arg11[%add3A_1, %dma_wait3A] : memref<10240x128xf32, #tpu.memory_space<vmem_shared>> -> memref<80x128xf32, #tpu.memory_space<vmem_shared>>
      tpu.wait_dma2 semaphore(%run_scoped3A : memref<!tpu.dma_semaphore, #tpu.memory_space<semaphore_mem>>) src(%arg6 : memref<80x128xf32, #tpu.memory_space<hbm>>) dst(%dma_wait3A_41 : memref<80x128xf32, #tpu.memory_space<vmem_shared>>)
      tpu.yield
    }) : () -> ()
    %mul3A_2 = arith.constant 640 : i32
    %mul3A_3 = arith.muli %arg1, %mul3A_2 : i32
    %add3A_4 = arith.constant 80 : i32
    %add3A_5 = arith.addi %mul3A_3, %add3A_4 : i32
    "tpu.region"() ({
      %run_scoped3A = tpu.sem_alloc : memref<!tpu.dma_semaphore, #tpu.memory_space<semaphore_mem>>
      %dma_start3A = arith.constant 0 : i32
      %dma_start3A_40 = tpu.memref_slice %arg11[%add3A_5, %dma_start3A] : memref<10240x128xf32, #tpu.memory_space<vmem_shared>> -> memref<80x128xf32, #tpu.memory_space<vmem_shared>>
      tpu.enqueue_dma source(%arg6 : memref<80x128xf32, #tpu.memory_space<hbm>>) target(%dma_start3A_40 : memref<80x128xf32, #tpu.memory_space<vmem_shared>>) target_semaphore(%run_scoped3A : memref<!tpu.dma_semaphore, #tpu.memory_space<semaphore_mem>>)
      %dma_wait3A = arith.constant 0 : i32
      %dma_wait3A_41 = tpu.memref_slice %arg11[%add3A_5, %dma_wait3A] : memref<10240x128xf32, #tpu.memory_space<vmem_shared>> -> memref<80x128xf32, #tpu.memory_space<vmem_shared>>
      tpu.wait_dma2 semaphore(%run_scoped3A : memref<!tpu.dma_semaphore, #tpu.memory_space<semaphore_mem>>) src(%arg6 : memref<80x128xf32, #tpu.memory_space<hbm>>) dst(%dma_wait3A_41 : memref<80x128xf32, #tpu.memory_space<vmem_shared>>)
      tpu.yield
    }) : () -> ()
    %mul3A_6 = arith.constant 640 : i32
    %mul3A_7 = arith.muli %arg1, %mul3A_6 : i32
    %add3A_8 = arith.constant 160 : i32
    %add3A_9 = arith.addi %mul3A_7, %add3A_8 : i32
    "tpu.region"() ({
      %run_scoped3A = tpu.sem_alloc : memref<!tpu.dma_semaphore, #tpu.memory_space<semaphore_mem>>
      %dma_start3A = arith.constant 0 : i32
      %dma_start3A_40 = tpu.memref_slice %arg11[%add3A_9, %dma_start3A] : memref<10240x128xf32, #tpu.memory_space<vmem_shared>> -> memref<80x128xf32, #tpu.memory_space<vmem_shared>>
      tpu.enqueue_dma source(%arg6 : memref<80x128xf32, #tpu.memory_space<hbm>>) target(%dma_start3A_40 : memref<80x128xf32, #tpu.memory_space<vmem_shared>>) target_semaphore(%run_scoped3A : memref<!tpu.dma_semaphore, #tpu.memory_space<semaphore_mem>>)
      %dma_wait3A = arith.constant 0 : i32
      %dma_wait3A_41 = tpu.memref_slice %arg11[%add3A_9, %dma_wait3A] : memref<10240x128xf32, #tpu.memory_space<vmem_shared>> -> memref<80x128xf32, #tpu.memory_space<vmem_shared>>
      tpu.wait_dma2 semaphore(%run_scoped3A : memref<!tpu.dma_semaphore, #tpu.memory_space<semaphore_mem>>) src(%arg6 : memref<80x128xf32, #tpu.memory_space<hbm>>) dst(%dma_wait3A_41 : memref<80x128xf32, #tpu.memory_space<vmem_shared>>)
      tpu.yield
    }) : () -> ()
    %mul3A_10 = arith.constant 640 : i32
    %mul3A_11 = arith.muli %arg1, %mul3A_10 : i32
    %add3A_12 = arith.constant 240 : i32
    %add3A_13 = arith.addi %mul3A_11, %add3A_12 : i32
    "tpu.region"() ({
      %run_scoped3A = tpu.sem_alloc : memref<!tpu.dma_semaphore, #tpu.memory_space<semaphore_mem>>
      %dma_start3A = arith.constant 0 : i32
      %dma_start3A_40 = tpu.memref_slice %arg11[%add3A_13, %dma_start3A] : memref<10240x128xf32, #tpu.memory_space<vmem_shared>> -> memref<80x128xf32, #tpu.memory_space<vmem_shared>>
      tpu.enqueue_dma source(%arg6 : memref<80x128xf32, #tpu.memory_space<hbm>>) target(%dma_start3A_40 : memref<80x128xf32, #tpu.memory_space<vmem_shared>>) target_semaphore(%run_scoped3A : memref<!tpu.dma_semaphore, #tpu.memory_space<semaphore_mem>>)
      %dma_wait3A = arith.constant 0 : i32
      %dma_wait3A_41 = tpu.memref_slice %arg11[%add3A_13, %dma_wait3A] : memref<10240x128xf32, #tpu.memory_space<vmem_shared>> -> memref<80x128xf32, #tpu.memory_space<vmem_shared>>
      tpu.wait_dma2 semaphore(%run_scoped3A : memref<!tpu.dma_semaphore, #tpu.memory_space<semaphore_mem>>) src(%arg6 : memref<80x128xf32, #tpu.memory_space<hbm>>) dst(%dma_wait3A_41 : memref<80x128xf32, #tpu.memory_space<vmem_shared>>)
      tpu.yield
    }) : () -> ()
    %mul3A_14 = arith.constant 640 : i32
    %mul3A_15 = arith.muli %arg1, %mul3A_14 : i32
    %add3A_16 = arith.constant 320 : i32
    %add3A_17 = arith.addi %mul3A_15, %add3A_16 : i32
    "tpu.region"() ({
      %run_scoped3A = tpu.sem_alloc : memref<!tpu.dma_semaphore, #tpu.memory_space<semaphore_mem>>
      %dma_start3A = arith.constant 0 : i32
      %dma_start3A_40 = tpu.memref_slice %arg11[%add3A_17, %dma_start3A] : memref<10240x128xf32, #tpu.memory_space<vmem_shared>> -> memref<80x128xf32, #tpu.memory_space<vmem_shared>>
      tpu.enqueue_dma source(%arg6 : memref<80x128xf32, #tpu.memory_space<hbm>>) target(%dma_start3A_40 : memref<80x128xf32, #tpu.memory_space<vmem_shared>>) target_semaphore(%run_scoped3A : memref<!tpu.dma_semaphore, #tpu.memory_space<semaphore_mem>>)
      %dma_wait3A = arith.constant 0 : i32
      %dma_wait3A_41 = tpu.memref_slice %arg11[%add3A_17, %dma_wait3A] : memref<10240x128xf32, #tpu.memory_space<vmem_shared>> -> memref<80x128xf32, #tpu.memory_space<vmem_shared>>
      tpu.wait_dma2 semaphore(%run_scoped3A : memref<!tpu.dma_semaphore, #tpu.memory_space<semaphore_mem>>) src(%arg6 : memref<80x128xf32, #tpu.memory_space<hbm>>) dst(%dma_wait3A_41 : memref<80x128xf32, #tpu.memory_space<vmem_shared>>)
      tpu.yield
    }) : () -> ()
    %mul3A_18 = arith.constant 640 : i32
    %mul3A_19 = arith.muli %arg1, %mul3A_18 : i32
    %add3A_20 = arith.constant 400 : i32
    %add3A_21 = arith.addi %mul3A_19, %add3A_20 : i32
    "tpu.region"() ({
      %run_scoped3A = tpu.sem_alloc : memref<!tpu.dma_semaphore, #tpu.memory_space<semaphore_mem>>
      %dma_start3A = arith.constant 0 : i32
      %dma_start3A_40 = tpu.memref_slice %arg11[%add3A_21, %dma_start3A] : memref<10240x128xf32, #tpu.memory_space<vmem_shared>> -> memref<80x128xf32, #tpu.memory_space<vmem_shared>>
      tpu.enqueue_dma source(%arg6 : memref<80x128xf32, #tpu.memory_space<hbm>>) target(%dma_start3A_40 : memref<80x128xf32, #tpu.memory_space<vmem_shared>>) target_semaphore(%run_scoped3A : memref<!tpu.dma_semaphore, #tpu.memory_space<semaphore_mem>>)
      %dma_wait3A = arith.constant 0 : i32
      %dma_wait3A_41 = tpu.memref_slice %arg11[%add3A_21, %dma_wait3A] : memref<10240x128xf32, #tpu.memory_space<vmem_shared>> -> memref<80x128xf32, #tpu.memory_space<vmem_shared>>
      tpu.wait_dma2 semaphore(%run_scoped3A : memref<!tpu.dma_semaphore, #tpu.memory_space<semaphore_mem>>) src(%arg6 : memref<80x128xf32, #tpu.memory_space<hbm>>) dst(%dma_wait3A_41 : memref<80x128xf32, #tpu.memory_space<vmem_shared>>)
      tpu.yield
    }) : () -> ()
    %mul3A_22 = arith.constant 640 : i32
    %mul3A_23 = arith.muli %arg1, %mul3A_22 : i32
    %add3A_24 = arith.constant 480 : i32
    %add3A_25 = arith.addi %mul3A_23, %add3A_24 : i32
    "tpu.region"() ({
      %run_scoped3A = tpu.sem_alloc : memref<!tpu.dma_semaphore, #tpu.memory_space<semaphore_mem>>
      %dma_start3A = arith.constant 0 : i32
      %dma_start3A_40 = tpu.memref_slice %arg11[%add3A_25, %dma_start3A] : memref<10240x128xf32, #tpu.memory_space<vmem_shared>> -> memref<80x128xf32, #tpu.memory_space<vmem_shared>>
      tpu.enqueue_dma source(%arg6 : memref<80x128xf32, #tpu.memory_space<hbm>>) target(%dma_start3A_40 : memref<80x128xf32, #tpu.memory_space<vmem_shared>>) target_semaphore(%run_scoped3A : memref<!tpu.dma_semaphore, #tpu.memory_space<semaphore_mem>>)
      %dma_wait3A = arith.constant 0 : i32
      %dma_wait3A_41 = tpu.memref_slice %arg11[%add3A_25, %dma_wait3A] : memref<10240x128xf32, #tpu.memory_space<vmem_shared>> -> memref<80x128xf32, #tpu.memory_space<vmem_shared>>
      tpu.wait_dma2 semaphore(%run_scoped3A : memref<!tpu.dma_semaphore, #tpu.memory_space<semaphore_mem>>) src(%arg6 : memref<80x128xf32, #tpu.memory_space<hbm>>) dst(%dma_wait3A_41 : memref<80x128xf32, #tpu.memory_space<vmem_shared>>)
      tpu.yield
    }) : () -> ()
    %mul3A_26 = arith.constant 640 : i32
    %mul3A_27 = arith.muli %arg1, %mul3A_26 : i32
    %add3A_28 = arith.constant 560 : i32
    %add3A_29 = arith.addi %mul3A_27, %add3A_28 : i32
    "tpu.region"() ({
      %run_scoped3A = tpu.sem_alloc : memref<!tpu.dma_semaphore, #tpu.memory_space<semaphore_mem>>
      %dma_start3A = arith.constant 0 : i32
      %dma_start3A_40 = tpu.memref_slice %arg11[%add3A_29, %dma_start3A] : memref<10240x128xf32, #tpu.memory_space<vmem_shared>> -> memref<80x128xf32, #tpu.memory_space<vmem_shared>>
      tpu.enqueue_dma source(%arg6 : memref<80x128xf32, #tpu.memory_space<hbm>>) target(%dma_start3A_40 : memref<80x128xf32, #tpu.memory_space<vmem_shared>>) target_semaphore(%run_scoped3A : memref<!tpu.dma_semaphore, #tpu.memory_space<semaphore_mem>>)
      %dma_wait3A = arith.constant 0 : i32
      %dma_wait3A_41 = tpu.memref_slice %arg11[%add3A_29, %dma_wait3A] : memref<10240x128xf32, #tpu.memory_space<vmem_shared>> -> memref<80x128xf32, #tpu.memory_space<vmem_shared>>
      tpu.wait_dma2 semaphore(%run_scoped3A : memref<!tpu.dma_semaphore, #tpu.memory_space<semaphore_mem>>) src(%arg6 : memref<80x128xf32, #tpu.memory_space<hbm>>) dst(%dma_wait3A_41 : memref<80x128xf32, #tpu.memory_space<vmem_shared>>)
      tpu.yield
    }) : () -> ()
    %barrier3A = arith.constant 0 : index
    tpu.barrier barrier_id(%barrier3A)
    %scan3A = arith.constant 0 : i32
    %scan3A_30 = arith.constant 0 : i32
    %scan3A_31 = arith.constant 125 : i32
    %scan3A_32 = arith.addi %scan3A_30, %scan3A_31 : i32
    %scan3A_33 = arith.constant 1 : i32
    scf.for %scan3A_40 = %scan3A_30 to %scan3A_32 step %scan3A_33  : i32 {
      %eq3A = arith.constant 0 : i32
      %eq3A_41 = arith.cmpi eq, %arg0, %eq3A : i32
      %convert_element_type3A = arith.extui %eq3A_41 : i1 to i32
      %cond3A = arith.constant 0 : i32
      %cond3A_42 = arith.cmpi ne, %convert_element_type3A, %cond3A : i32
      scf.if %cond3A_42 {
        %dma_start3A = arith.constant 0 : i32
        %dma_start3A_48 = tpu.memref_slice %arg8[%scan3A_40, %dma_start3A] : memref<125x80xi32, #tpu.memory_space<vmem>> -> memref<1x80xi32, #tpu.memory_space<vmem>>
        %dma_start3A_49 = tpu.memref_squeeze %dma_start3A_48 : memref<1x80xi32, #tpu.memory_space<vmem>> -> memref<80xi32, #tpu.memory_space<vmem>>
        %dma_start3A_50 = arith.constant 0 : i32
        %dma_start3A_51 = arith.constant 0 : i32
        %dma_start3A_52 = tpu.memref_slice %arg2[%dma_start3A_50, %dma_start3A_51] : memref<10000x128xf32, #tpu.memory_space<hbm>> -> memref<10000x128xf32, #tpu.memory_space<hbm>>
        tpu.enqueue_indirect_dma source(%dma_start3A_52 : memref<10000x128xf32, #tpu.memory_space<hbm>>) target(%arg10 : memref<80x128xf32, #tpu.memory_space<vmem>>) offsets(%dma_start3A_49 : memref<80xi32, #tpu.memory_space<vmem>>) semaphore(%arg12 : memref<!tpu.dma_semaphore, #tpu.memory_space<semaphore_mem>>)
        %dma_wait3A = arith.constant 0 : i32
        %dma_wait3A_53 = tpu.memref_slice %arg8[%scan3A_40, %dma_wait3A] : memref<125x80xi32, #tpu.memory_space<vmem>> -> memref<1x80xi32, #tpu.memory_space<vmem>>
        %dma_wait3A_54 = tpu.memref_squeeze %dma_wait3A_53 : memref<1x80xi32, #tpu.memory_space<vmem>> -> memref<80xi32, #tpu.memory_space<vmem>>
        %dma_wait3A_55 = arith.constant 0 : i32
        %dma_wait3A_56 = arith.constant 0 : i32
        %dma_wait3A_57 = tpu.memref_slice %arg2[%dma_wait3A_55, %dma_wait3A_56] : memref<10000x128xf32, #tpu.memory_space<hbm>> -> memref<10000x128xf32, #tpu.memory_space<hbm>>
        tpu.wait_indirect_dma semaphore(%arg12 : memref<!tpu.dma_semaphore, #tpu.memory_space<semaphore_mem>>) src(%dma_wait3A_57 : memref<10000x128xf32, #tpu.memory_space<hbm>>) dst(%arg10 : memref<80x128xf32, #tpu.memory_space<vmem>>)
      } else {
      }
      %eq3A_43 = arith.constant 1 : i32
      %eq3A_44 = arith.cmpi eq, %arg0, %eq3A_43 : i32
      %convert_element_type3A_45 = arith.extui %eq3A_44 : i1 to i32
      %cond3A_46 = arith.constant 0 : i32
      %cond3A_47 = arith.cmpi ne, %convert_element_type3A_45, %cond3A_46 : i32
      scf.if %cond3A_47 {
        %dma_start3A = arith.constant 0 : i32
        %dma_start3A_48 = tpu.memref_slice %arg8[%scan3A_40, %dma_start3A] : memref<125x80xi32, #tpu.memory_space<vmem>> -> memref<1x80xi32, #tpu.memory_space<vmem>>
        %dma_start3A_49 = tpu.memref_squeeze %dma_start3A_48 : memref<1x80xi32, #tpu.memory_space<vmem>> -> memref<80xi32, #tpu.memory_space<vmem>>
        %dma_start3A_50 = arith.constant 0 : i32
        %dma_start3A_51 = arith.constant 0 : i32
        %dma_start3A_52 = tpu.memref_slice %arg3[%dma_start3A_50, %dma_start3A_51] : memref<10000x128xf32, #tpu.memory_space<hbm>> -> memref<10000x128xf32, #tpu.memory_space<hbm>>
        tpu.enqueue_indirect_dma source(%dma_start3A_52 : memref<10000x128xf32, #tpu.memory_space<hbm>>) target(%arg10 : memref<80x128xf32, #tpu.memory_space<vmem>>) offsets(%dma_start3A_49 : memref<80xi32, #tpu.memory_space<vmem>>) semaphore(%arg12 : memref<!tpu.dma_semaphore, #tpu.memory_space<semaphore_mem>>)
        %dma_wait3A = arith.constant 0 : i32
        %dma_wait3A_53 = tpu.memref_slice %arg8[%scan3A_40, %dma_wait3A] : memref<125x80xi32, #tpu.memory_space<vmem>> -> memref<1x80xi32, #tpu.memory_space<vmem>>
        %dma_wait3A_54 = tpu.memref_squeeze %dma_wait3A_53 : memref<1x80xi32, #tpu.memory_space<vmem>> -> memref<80xi32, #tpu.memory_space<vmem>>
        %dma_wait3A_55 = arith.constant 0 : i32
        %dma_wait3A_56 = arith.constant 0 : i32
        %dma_wait3A_57 = tpu.memref_slice %arg3[%dma_wait3A_55, %dma_wait3A_56] : memref<10000x128xf32, #tpu.memory_space<hbm>> -> memref<10000x128xf32, #tpu.memory_space<hbm>>
        tpu.wait_indirect_dma semaphore(%arg12 : memref<!tpu.dma_semaphore, #tpu.memory_space<semaphore_mem>>) src(%dma_wait3A_57 : memref<10000x128xf32, #tpu.memory_space<hbm>>) dst(%arg10 : memref<80x128xf32, #tpu.memory_space<vmem>>)
      } else {
      }
      "tpu.region"() ({
        %run_scoped3A = tpu.sem_alloc : memref<!tpu.dma_semaphore, #tpu.memory_space<semaphore_mem>>
        %dma_start3A = arith.constant 0 : i32
        %dma_start3A_48 = tpu.memref_slice %arg9[%scan3A_40, %dma_start3A] : memref<125x80xi32, #tpu.memory_space<vmem>> -> memref<1x80xi32, #tpu.memory_space<vmem>>
        %dma_start3A_49 = tpu.memref_squeeze %dma_start3A_48 : memref<1x80xi32, #tpu.memory_space<vmem>> -> memref<80xi32, #tpu.memory_space<vmem>>
        %dma_start3A_50 = arith.constant 0 : i32
        %dma_start3A_51 = arith.constant 0 : i32
        %dma_start3A_52 = tpu.memref_slice %arg11[%dma_start3A_50, %dma_start3A_51] : memref<10240x128xf32, #tpu.memory_space<vmem_shared>> -> memref<10240x128xf32, #tpu.memory_space<vmem_shared>>
        tpu.enqueue_indirect_dma source(%arg10 : memref<80x128xf32, #tpu.memory_space<vmem>>) target(%dma_start3A_52 : memref<10240x128xf32, #tpu.memory_space<vmem_shared>>) offsets(%dma_start3A_49 : memref<80xi32, #tpu.memory_space<vmem>>) semaphore(%run_scoped3A : memref<!tpu.dma_semaphore, #tpu.memory_space<semaphore_mem>>) {add = true}
        %dma_wait3A = arith.constant 0 : i32
        %dma_wait3A_53 = tpu.memref_slice %arg9[%scan3A_40, %dma_wait3A] : memref<125x80xi32, #tpu.memory_space<vmem>> -> memref<1x80xi32, #tpu.memory_space<vmem>>
        %dma_wait3A_54 = tpu.memref_squeeze %dma_wait3A_53 : memref<1x80xi32, #tpu.memory_space<vmem>> -> memref<80xi32, #tpu.memory_space<vmem>>
        %dma_wait3A_55 = arith.constant 0 : i32
        %dma_wait3A_56 = arith.constant 0 : i32
        %dma_wait3A_57 = tpu.memref_slice %arg11[%dma_wait3A_55, %dma_wait3A_56] : memref<10240x128xf32, #tpu.memory_space<vmem_shared>> -> memref<10240x128xf32, #tpu.memory_space<vmem_shared>>
        tpu.wait_indirect_dma semaphore(%run_scoped3A : memref<!tpu.dma_semaphore, #tpu.memory_space<semaphore_mem>>) src(%arg10 : memref<80x128xf32, #tpu.memory_space<vmem>>) dst(%dma_wait3A_57 : memref<10240x128xf32, #tpu.memory_space<vmem_shared>>)
        tpu.yield
      }) : () -> ()
    }
    %scan3A_34 = arith.constant 125 : i32
    %barrier3A_35 = arith.constant 0 : index
    tpu.barrier barrier_id(%barrier3A_35)
    %mul3A_36 = arith.constant 640 : i32
    %mul3A_37 = arith.muli %arg1, %mul3A_36 : i32
    %mul3A_38 = arith.constant 640 : i32
    %mul3A_39 = arith.muli %arg1, %mul3A_38 : i32
    "tpu.region"() ({
      %run_scoped3A = tpu.sem_alloc : memref<!tpu.dma_semaphore, #tpu.memory_space<semaphore_mem>>
      %dma_start3A = arith.constant 0 : i32
      %dma_start3A_40 = tpu.memref_slice %arg7[%arg0, %mul3A_39, %dma_start3A] : memref<2x10240x128xf32, #tpu.memory_space<hbm>> -> memref<1x640x128xf32, #tpu.memory_space<hbm>>
      %dma_start3A_41 = tpu.memref_squeeze %dma_start3A_40 : memref<1x640x128xf32, #tpu.memory_space<hbm>> -> memref<640x128xf32, #tpu.memory_space<hbm>>
      %dma_start3A_42 = arith.constant 0 : i32
      %dma_start3A_43 = tpu.memref_slice %arg11[%mul3A_37, %dma_start3A_42] : memref<10240x128xf32, #tpu.memory_space<vmem_shared>> -> memref<640x128xf32, #tpu.memory_space<vmem_shared>>
      tpu.enqueue_dma source(%dma_start3A_43 : memref<640x128xf32, #tpu.memory_space<vmem_shared>>) target(%dma_start3A_41 : memref<640x128xf32, #tpu.memory_space<hbm>>) target_semaphore(%run_scoped3A : memref<!tpu.dma_semaphore, #tpu.memory_space<semaphore_mem>>)
      %dma_wait3A = arith.constant 0 : i32
      %dma_wait3A_44 = tpu.memref_slice %arg7[%arg0, %mul3A_39, %dma_wait3A] : memref<2x10240x128xf32, #tpu.memory_space<hbm>> -> memref<1x640x128xf32, #tpu.memory_space<hbm>>
      %dma_wait3A_45 = tpu.memref_squeeze %dma_wait3A_44 : memref<1x640x128xf32, #tpu.memory_space<hbm>> -> memref<640x128xf32, #tpu.memory_space<hbm>>
      %dma_wait3A_46 = arith.constant 0 : i32
      %dma_wait3A_47 = tpu.memref_slice %arg11[%mul3A_37, %dma_wait3A_46] : memref<10240x128xf32, #tpu.memory_space<vmem_shared>> -> memref<640x128xf32, #tpu.memory_space<vmem_shared>>
      tpu.wait_dma2 semaphore(%run_scoped3A : memref<!tpu.dma_semaphore, #tpu.memory_space<semaphore_mem>>) src(%dma_wait3A_47 : memref<640x128xf32, #tpu.memory_space<vmem_shared>>) dst(%dma_wait3A_45 : memref<640x128xf32, #tpu.memory_space<hbm>>)
      tpu.yield
    }) : () -> ()
    return
  }
}

#map = affine_map<(d0, d1) -> (0, 0, 0)>
#map1 = affine_map<(d0, d1) -> (0, 0)>
module attributes {stable_mosaic.version = 14 : i64} {
  func.func @_sc_degree(%arg0: i32, %arg1: i32, %arg2: memref<16x125x80xi32, #tpu.memory_space<hbm>>, %arg3: memref<640x16xf32, #tpu.memory_space<hbm>>, %arg4: memref<80x16xf32, #tpu.memory_space<hbm>>, %arg5: memref<10240x16xf32, #tpu.memory_space<hbm>>, %arg6: memref<125x80xi32, #tpu.memory_space<vmem>>, %arg7: memref<80x16xf32, #tpu.memory_space<vmem>>, %arg8: memref<10240x16xf32, #tpu.memory_space<vmem_shared>>) attributes {dimension_semantics = [#tpu.dimension_semantics<core_parallel>, #tpu.dimension_semantics<subcore_parallel>], iteration_bounds = array<i64: 2, 16>, scalar_prefetch = 0 : i64, scratch_operands = 3 : i64, tpu.core_type = #tpu.core_type<sc_vector_subcore>, window_params = [{transform_indices = #map}, {transform_indices = #map1}, {transform_indices = #map1}, {transform_indices = #map1}]} {
    "tpu.region"() ({
      %run_scoped3A = tpu.sem_alloc : memref<!tpu.dma_semaphore, #tpu.memory_space<semaphore_mem>>
      %dma_start3A = arith.constant 0 : i32
      %dma_start3A_9 = arith.constant 0 : i32
      %dma_start3A_10 = tpu.memref_slice %arg2[%arg1, %dma_start3A, %dma_start3A_9] : memref<16x125x80xi32, #tpu.memory_space<hbm>> -> memref<1x125x80xi32, #tpu.memory_space<hbm>>
      %dma_start3A_11 = tpu.memref_squeeze %dma_start3A_10 : memref<1x125x80xi32, #tpu.memory_space<hbm>> -> memref<125x80xi32, #tpu.memory_space<hbm>>
      %dma_start3A_12 = arith.constant 0 : i32
      %dma_start3A_13 = arith.constant 0 : i32
      %dma_start3A_14 = tpu.memref_slice %arg2[%arg1, %dma_start3A_12, %dma_start3A_13] : memref<16x125x80xi32, #tpu.memory_space<hbm>> -> memref<1x125x80xi32, #tpu.memory_space<hbm>>
      %dma_start3A_15 = tpu.memref_squeeze %dma_start3A_14 : memref<1x125x80xi32, #tpu.memory_space<hbm>> -> memref<125x80xi32, #tpu.memory_space<hbm>>
      tpu.enqueue_dma source(%dma_start3A_15 : memref<125x80xi32, #tpu.memory_space<hbm>>) target(%arg6 : memref<125x80xi32, #tpu.memory_space<vmem>>) target_semaphore(%run_scoped3A : memref<!tpu.dma_semaphore, #tpu.memory_space<semaphore_mem>>)
      %dma_wait3A = arith.constant 0 : i32
      %dma_wait3A_16 = arith.constant 0 : i32
      %dma_wait3A_17 = tpu.memref_slice %arg2[%arg1, %dma_wait3A, %dma_wait3A_16] : memref<16x125x80xi32, #tpu.memory_space<hbm>> -> memref<1x125x80xi32, #tpu.memory_space<hbm>>
      %dma_wait3A_18 = tpu.memref_squeeze %dma_wait3A_17 : memref<1x125x80xi32, #tpu.memory_space<hbm>> -> memref<125x80xi32, #tpu.memory_space<hbm>>
      %dma_wait3A_19 = arith.constant 0 : i32
      %dma_wait3A_20 = arith.constant 0 : i32
      %dma_wait3A_21 = tpu.memref_slice %arg2[%arg1, %dma_wait3A_19, %dma_wait3A_20] : memref<16x125x80xi32, #tpu.memory_space<hbm>> -> memref<1x125x80xi32, #tpu.memory_space<hbm>>
      %dma_wait3A_22 = tpu.memref_squeeze %dma_wait3A_21 : memref<1x125x80xi32, #tpu.memory_space<hbm>> -> memref<125x80xi32, #tpu.memory_space<hbm>>
      tpu.wait_dma2 semaphore(%run_scoped3A : memref<!tpu.dma_semaphore, #tpu.memory_space<semaphore_mem>>) src(%dma_wait3A_22 : memref<125x80xi32, #tpu.memory_space<hbm>>) dst(%arg6 : memref<125x80xi32, #tpu.memory_space<vmem>>)
      tpu.yield
    }) : () -> ()
    "tpu.region"() ({
      %run_scoped3A = tpu.sem_alloc : memref<!tpu.dma_semaphore, #tpu.memory_space<semaphore_mem>>
      tpu.enqueue_dma source(%arg4 : memref<80x16xf32, #tpu.memory_space<hbm>>) target(%arg7 : memref<80x16xf32, #tpu.memory_space<vmem>>) target_semaphore(%run_scoped3A : memref<!tpu.dma_semaphore, #tpu.memory_space<semaphore_mem>>)
      tpu.wait_dma2 semaphore(%run_scoped3A : memref<!tpu.dma_semaphore, #tpu.memory_space<semaphore_mem>>) src(%arg4 : memref<80x16xf32, #tpu.memory_space<hbm>>) dst(%arg7 : memref<80x16xf32, #tpu.memory_space<vmem>>)
      tpu.yield
    }) : () -> ()
    %mul3A = arith.constant 640 : i32
    %mul3A_0 = arith.muli %arg1, %mul3A : i32
    "tpu.region"() ({
      %run_scoped3A = tpu.sem_alloc : memref<!tpu.dma_semaphore, #tpu.memory_space<semaphore_mem>>
      %dma_start3A = arith.constant 0 : i32
      %dma_start3A_9 = tpu.memref_slice %arg8[%mul3A_0, %dma_start3A] : memref<10240x16xf32, #tpu.memory_space<vmem_shared>> -> memref<640x16xf32, #tpu.memory_space<vmem_shared>>
      tpu.enqueue_dma source(%arg3 : memref<640x16xf32, #tpu.memory_space<hbm>>) target(%dma_start3A_9 : memref<640x16xf32, #tpu.memory_space<vmem_shared>>) target_semaphore(%run_scoped3A : memref<!tpu.dma_semaphore, #tpu.memory_space<semaphore_mem>>)
      %dma_wait3A = arith.constant 0 : i32
      %dma_wait3A_10 = tpu.memref_slice %arg8[%mul3A_0, %dma_wait3A] : memref<10240x16xf32, #tpu.memory_space<vmem_shared>> -> memref<640x16xf32, #tpu.memory_space<vmem_shared>>
      tpu.wait_dma2 semaphore(%run_scoped3A : memref<!tpu.dma_semaphore, #tpu.memory_space<semaphore_mem>>) src(%arg3 : memref<640x16xf32, #tpu.memory_space<hbm>>) dst(%dma_wait3A_10 : memref<640x16xf32, #tpu.memory_space<vmem_shared>>)
      tpu.yield
    }) : () -> ()
    %barrier3A = arith.constant 0 : index
    tpu.barrier barrier_id(%barrier3A)
    %scan3A = arith.constant 0 : i32
    %scan3A_1 = arith.constant 0 : i32
    %scan3A_2 = arith.constant 125 : i32
    %scan3A_3 = arith.addi %scan3A_1, %scan3A_2 : i32
    %scan3A_4 = arith.constant 1 : i32
    scf.for %scan3A_9 = %scan3A_1 to %scan3A_3 step %scan3A_4  : i32 {
      %eq3A_10 = arith.constant 0 : i32
      %eq3A_11 = arith.cmpi eq, %arg0, %eq3A_10 : i32
      %convert_element_type3A_12 = arith.extui %eq3A_11 : i1 to i32
      %cond3A_13 = arith.constant 0 : i32
      %cond3A_14 = arith.cmpi ne, %convert_element_type3A_12, %cond3A_13 : i32
      scf.if %cond3A_14 {
        "tpu.region"() ({
          %run_scoped3A = tpu.sem_alloc : memref<!tpu.dma_semaphore, #tpu.memory_space<semaphore_mem>>
          %dma_start3A = arith.constant 0 : i32
          %dma_start3A_15 = tpu.memref_slice %arg6[%scan3A_9, %dma_start3A] : memref<125x80xi32, #tpu.memory_space<vmem>> -> memref<1x80xi32, #tpu.memory_space<vmem>>
          %dma_start3A_16 = tpu.memref_squeeze %dma_start3A_15 : memref<1x80xi32, #tpu.memory_space<vmem>> -> memref<80xi32, #tpu.memory_space<vmem>>
          %dma_start3A_17 = arith.constant 0 : i32
          %dma_start3A_18 = arith.constant 0 : i32
          %dma_start3A_19 = tpu.memref_slice %arg8[%dma_start3A_17, %dma_start3A_18] : memref<10240x16xf32, #tpu.memory_space<vmem_shared>> -> memref<10240x16xf32, #tpu.memory_space<vmem_shared>>
          tpu.enqueue_indirect_dma source(%arg7 : memref<80x16xf32, #tpu.memory_space<vmem>>) target(%dma_start3A_19 : memref<10240x16xf32, #tpu.memory_space<vmem_shared>>) offsets(%dma_start3A_16 : memref<80xi32, #tpu.memory_space<vmem>>) semaphore(%run_scoped3A : memref<!tpu.dma_semaphore, #tpu.memory_space<semaphore_mem>>) {add = true}
          %dma_wait3A = arith.constant 0 : i32
          %dma_wait3A_20 = tpu.memref_slice %arg6[%scan3A_9, %dma_wait3A] : memref<125x80xi32, #tpu.memory_space<vmem>> -> memref<1x80xi32, #tpu.memory_space<vmem>>
          %dma_wait3A_21 = tpu.memref_squeeze %dma_wait3A_20 : memref<1x80xi32, #tpu.memory_space<vmem>> -> memref<80xi32, #tpu.memory_space<vmem>>
          %dma_wait3A_22 = arith.constant 0 : i32
          %dma_wait3A_23 = arith.constant 0 : i32
          %dma_wait3A_24 = tpu.memref_slice %arg8[%dma_wait3A_22, %dma_wait3A_23] : memref<10240x16xf32, #tpu.memory_space<vmem_shared>> -> memref<10240x16xf32, #tpu.memory_space<vmem_shared>>
          tpu.wait_indirect_dma semaphore(%run_scoped3A : memref<!tpu.dma_semaphore, #tpu.memory_space<semaphore_mem>>) src(%arg7 : memref<80x16xf32, #tpu.memory_space<vmem>>) dst(%dma_wait3A_24 : memref<10240x16xf32, #tpu.memory_space<vmem_shared>>)
          tpu.yield
        }) : () -> ()
      } else {
      }
    }
    %scan3A_5 = arith.constant 125 : i32
    %barrier3A_6 = arith.constant 0 : index
    tpu.barrier barrier_id(%barrier3A_6)
    %eq3A = arith.constant 0 : i32
    %eq3A_7 = arith.cmpi eq, %arg0, %eq3A : i32
    %convert_element_type3A = arith.extui %eq3A_7 : i1 to i32
    %cond3A = arith.constant 0 : i32
    %cond3A_8 = arith.cmpi ne, %convert_element_type3A, %cond3A : i32
    scf.if %cond3A_8 {
      %mul3A_9 = arith.constant 640 : i32
      %mul3A_10 = arith.muli %arg1, %mul3A_9 : i32
      %mul3A_11 = arith.constant 640 : i32
      %mul3A_12 = arith.muli %arg1, %mul3A_11 : i32
      "tpu.region"() ({
        %run_scoped3A = tpu.sem_alloc : memref<!tpu.dma_semaphore, #tpu.memory_space<semaphore_mem>>
        %dma_start3A = arith.constant 0 : i32
        %dma_start3A_13 = tpu.memref_slice %arg5[%mul3A_12, %dma_start3A] : memref<10240x16xf32, #tpu.memory_space<hbm>> -> memref<640x16xf32, #tpu.memory_space<hbm>>
        %dma_start3A_14 = arith.constant 0 : i32
        %dma_start3A_15 = tpu.memref_slice %arg8[%mul3A_10, %dma_start3A_14] : memref<10240x16xf32, #tpu.memory_space<vmem_shared>> -> memref<640x16xf32, #tpu.memory_space<vmem_shared>>
        tpu.enqueue_dma source(%dma_start3A_15 : memref<640x16xf32, #tpu.memory_space<vmem_shared>>) target(%dma_start3A_13 : memref<640x16xf32, #tpu.memory_space<hbm>>) target_semaphore(%run_scoped3A : memref<!tpu.dma_semaphore, #tpu.memory_space<semaphore_mem>>)
        %dma_wait3A = arith.constant 0 : i32
        %dma_wait3A_16 = tpu.memref_slice %arg5[%mul3A_12, %dma_wait3A] : memref<10240x16xf32, #tpu.memory_space<hbm>> -> memref<640x16xf32, #tpu.memory_space<hbm>>
        %dma_wait3A_17 = arith.constant 0 : i32
        %dma_wait3A_18 = tpu.memref_slice %arg8[%mul3A_10, %dma_wait3A_17] : memref<10240x16xf32, #tpu.memory_space<vmem_shared>> -> memref<640x16xf32, #tpu.memory_space<vmem_shared>>
        tpu.wait_dma2 semaphore(%run_scoped3A : memref<!tpu.dma_semaphore, #tpu.memory_space<semaphore_mem>>) src(%dma_wait3A_18 : memref<640x16xf32, #tpu.memory_space<vmem_shared>>) dst(%dma_wait3A_16 : memref<640x16xf32, #tpu.memory_space<hbm>>)
        tpu.yield
      }) : () -> ()
    } else {
    }
    return
  }
}

#map = affine_map<(d0, d1) -> (0, 0)>
#map1 = affine_map<(d0, d1) -> (0, 0, 0)>
module attributes {stable_mosaic.version = 14 : i64} {
  func.func @_sc_edge(%arg0: i32, %arg1: i32, %arg2: memref<10000x128xf32, #tpu.memory_space<hbm>>, %arg3: memref<10000x128xf32, #tpu.memory_space<hbm>>, %arg4: memref<32x125x40xi32, #tpu.memory_space<hbm>>, %arg5: memref<32x125x40xi32, #tpu.memory_space<hbm>>, %arg6: memref<160000x128xf32, #tpu.memory_space<hbm>>, %arg7: memref<160000x128xf32, #tpu.memory_space<hbm>>, %arg8: memref<125x40xi32, #tpu.memory_space<vmem>>, %arg9: memref<125x40xi32, #tpu.memory_space<vmem>>, %arg10: memref<40x128xf32, #tpu.memory_space<vmem>>, %arg11: memref<40x128xf32, #tpu.memory_space<vmem>>, %arg12: memref<!tpu.dma_semaphore, #tpu.memory_space<semaphore_mem>>) attributes {dimension_semantics = [#tpu.dimension_semantics<core_parallel>, #tpu.dimension_semantics<subcore_parallel>], iteration_bounds = array<i64: 2, 16>, scalar_prefetch = 0 : i64, scratch_operands = 5 : i64, tpu.core_type = #tpu.core_type<sc_vector_subcore>, window_params = [{transform_indices = #map}, {transform_indices = #map}, {transform_indices = #map1}, {transform_indices = #map1}, {transform_indices = #map}, {transform_indices = #map}]} {
    %mul3A = arith.constant 2 : i32
    %mul3A_0 = arith.muli %arg1, %mul3A : i32
    %add3A = arith.addi %mul3A_0, %arg0 : i32
    "tpu.region"() ({
      %run_scoped3A = tpu.sem_alloc : memref<!tpu.dma_semaphore, #tpu.memory_space<semaphore_mem>>
      %dma_start3A = arith.constant 0 : i32
      %dma_start3A_6 = arith.constant 0 : i32
      %dma_start3A_7 = tpu.memref_slice %arg4[%add3A, %dma_start3A, %dma_start3A_6] : memref<32x125x40xi32, #tpu.memory_space<hbm>> -> memref<1x125x40xi32, #tpu.memory_space<hbm>>
      %dma_start3A_8 = tpu.memref_squeeze %dma_start3A_7 : memref<1x125x40xi32, #tpu.memory_space<hbm>> -> memref<125x40xi32, #tpu.memory_space<hbm>>
      %dma_start3A_9 = arith.constant 0 : i32
      %dma_start3A_10 = arith.constant 0 : i32
      %dma_start3A_11 = tpu.memref_slice %arg4[%add3A, %dma_start3A_9, %dma_start3A_10] : memref<32x125x40xi32, #tpu.memory_space<hbm>> -> memref<1x125x40xi32, #tpu.memory_space<hbm>>
      %dma_start3A_12 = tpu.memref_squeeze %dma_start3A_11 : memref<1x125x40xi32, #tpu.memory_space<hbm>> -> memref<125x40xi32, #tpu.memory_space<hbm>>
      tpu.enqueue_dma source(%dma_start3A_12 : memref<125x40xi32, #tpu.memory_space<hbm>>) target(%arg8 : memref<125x40xi32, #tpu.memory_space<vmem>>) target_semaphore(%run_scoped3A : memref<!tpu.dma_semaphore, #tpu.memory_space<semaphore_mem>>)
      %dma_wait3A = arith.constant 0 : i32
      %dma_wait3A_13 = arith.constant 0 : i32
      %dma_wait3A_14 = tpu.memref_slice %arg4[%add3A, %dma_wait3A, %dma_wait3A_13] : memref<32x125x40xi32, #tpu.memory_space<hbm>> -> memref<1x125x40xi32, #tpu.memory_space<hbm>>
      %dma_wait3A_15 = tpu.memref_squeeze %dma_wait3A_14 : memref<1x125x40xi32, #tpu.memory_space<hbm>> -> memref<125x40xi32, #tpu.memory_space<hbm>>
      %dma_wait3A_16 = arith.constant 0 : i32
      %dma_wait3A_17 = arith.constant 0 : i32
      %dma_wait3A_18 = tpu.memref_slice %arg4[%add3A, %dma_wait3A_16, %dma_wait3A_17] : memref<32x125x40xi32, #tpu.memory_space<hbm>> -> memref<1x125x40xi32, #tpu.memory_space<hbm>>
      %dma_wait3A_19 = tpu.memref_squeeze %dma_wait3A_18 : memref<1x125x40xi32, #tpu.memory_space<hbm>> -> memref<125x40xi32, #tpu.memory_space<hbm>>
      tpu.wait_dma2 semaphore(%run_scoped3A : memref<!tpu.dma_semaphore, #tpu.memory_space<semaphore_mem>>) src(%dma_wait3A_19 : memref<125x40xi32, #tpu.memory_space<hbm>>) dst(%arg8 : memref<125x40xi32, #tpu.memory_space<vmem>>)
      tpu.yield
    }) : () -> ()
    "tpu.region"() ({
      %run_scoped3A = tpu.sem_alloc : memref<!tpu.dma_semaphore, #tpu.memory_space<semaphore_mem>>
      %dma_start3A = arith.constant 0 : i32
      %dma_start3A_6 = arith.constant 0 : i32
      %dma_start3A_7 = tpu.memref_slice %arg5[%add3A, %dma_start3A, %dma_start3A_6] : memref<32x125x40xi32, #tpu.memory_space<hbm>> -> memref<1x125x40xi32, #tpu.memory_space<hbm>>
      %dma_start3A_8 = tpu.memref_squeeze %dma_start3A_7 : memref<1x125x40xi32, #tpu.memory_space<hbm>> -> memref<125x40xi32, #tpu.memory_space<hbm>>
      %dma_start3A_9 = arith.constant 0 : i32
      %dma_start3A_10 = arith.constant 0 : i32
      %dma_start3A_11 = tpu.memref_slice %arg5[%add3A, %dma_start3A_9, %dma_start3A_10] : memref<32x125x40xi32, #tpu.memory_space<hbm>> -> memref<1x125x40xi32, #tpu.memory_space<hbm>>
      %dma_start3A_12 = tpu.memref_squeeze %dma_start3A_11 : memref<1x125x40xi32, #tpu.memory_space<hbm>> -> memref<125x40xi32, #tpu.memory_space<hbm>>
      tpu.enqueue_dma source(%dma_start3A_12 : memref<125x40xi32, #tpu.memory_space<hbm>>) target(%arg9 : memref<125x40xi32, #tpu.memory_space<vmem>>) target_semaphore(%run_scoped3A : memref<!tpu.dma_semaphore, #tpu.memory_space<semaphore_mem>>)
      %dma_wait3A = arith.constant 0 : i32
      %dma_wait3A_13 = arith.constant 0 : i32
      %dma_wait3A_14 = tpu.memref_slice %arg5[%add3A, %dma_wait3A, %dma_wait3A_13] : memref<32x125x40xi32, #tpu.memory_space<hbm>> -> memref<1x125x40xi32, #tpu.memory_space<hbm>>
      %dma_wait3A_15 = tpu.memref_squeeze %dma_wait3A_14 : memref<1x125x40xi32, #tpu.memory_space<hbm>> -> memref<125x40xi32, #tpu.memory_space<hbm>>
      %dma_wait3A_16 = arith.constant 0 : i32
      %dma_wait3A_17 = arith.constant 0 : i32
      %dma_wait3A_18 = tpu.memref_slice %arg5[%add3A, %dma_wait3A_16, %dma_wait3A_17] : memref<32x125x40xi32, #tpu.memory_space<hbm>> -> memref<1x125x40xi32, #tpu.memory_space<hbm>>
      %dma_wait3A_19 = tpu.memref_squeeze %dma_wait3A_18 : memref<1x125x40xi32, #tpu.memory_space<hbm>> -> memref<125x40xi32, #tpu.memory_space<hbm>>
      tpu.wait_dma2 semaphore(%run_scoped3A : memref<!tpu.dma_semaphore, #tpu.memory_space<semaphore_mem>>) src(%dma_wait3A_19 : memref<125x40xi32, #tpu.memory_space<hbm>>) dst(%arg9 : memref<125x40xi32, #tpu.memory_space<vmem>>)
      tpu.yield
    }) : () -> ()
    %scan3A = arith.constant 0 : i32
    %scan3A_1 = arith.constant 0 : i32
    %scan3A_2 = arith.constant 125 : i32
    %scan3A_3 = arith.addi %scan3A_1, %scan3A_2 : i32
    %scan3A_4 = arith.constant 1 : i32
    scf.for %scan3A_6 = %scan3A_1 to %scan3A_3 step %scan3A_4  : i32 {
      %dma_start3A = arith.constant 0 : i32
      %dma_start3A_7 = tpu.memref_slice %arg8[%scan3A_6, %dma_start3A] : memref<125x40xi32, #tpu.memory_space<vmem>> -> memref<1x40xi32, #tpu.memory_space<vmem>>
      %dma_start3A_8 = tpu.memref_squeeze %dma_start3A_7 : memref<1x40xi32, #tpu.memory_space<vmem>> -> memref<40xi32, #tpu.memory_space<vmem>>
      %dma_start3A_9 = arith.constant 0 : i32
      %dma_start3A_10 = arith.constant 0 : i32
      %dma_start3A_11 = tpu.memref_slice %arg2[%dma_start3A_9, %dma_start3A_10] : memref<10000x128xf32, #tpu.memory_space<hbm>> -> memref<10000x128xf32, #tpu.memory_space<hbm>>
      tpu.enqueue_indirect_dma source(%dma_start3A_11 : memref<10000x128xf32, #tpu.memory_space<hbm>>) target(%arg10 : memref<40x128xf32, #tpu.memory_space<vmem>>) offsets(%dma_start3A_8 : memref<40xi32, #tpu.memory_space<vmem>>) semaphore(%arg12 : memref<!tpu.dma_semaphore, #tpu.memory_space<semaphore_mem>>)
      %dma_wait3A = arith.constant 0 : i32
      %dma_wait3A_12 = tpu.memref_slice %arg8[%scan3A_6, %dma_wait3A] : memref<125x40xi32, #tpu.memory_space<vmem>> -> memref<1x40xi32, #tpu.memory_space<vmem>>
      %dma_wait3A_13 = tpu.memref_squeeze %dma_wait3A_12 : memref<1x40xi32, #tpu.memory_space<vmem>> -> memref<40xi32, #tpu.memory_space<vmem>>
      %dma_wait3A_14 = arith.constant 0 : i32
      %dma_wait3A_15 = arith.constant 0 : i32
      %dma_wait3A_16 = tpu.memref_slice %arg2[%dma_wait3A_14, %dma_wait3A_15] : memref<10000x128xf32, #tpu.memory_space<hbm>> -> memref<10000x128xf32, #tpu.memory_space<hbm>>
      tpu.wait_indirect_dma semaphore(%arg12 : memref<!tpu.dma_semaphore, #tpu.memory_space<semaphore_mem>>) src(%dma_wait3A_16 : memref<10000x128xf32, #tpu.memory_space<hbm>>) dst(%arg10 : memref<40x128xf32, #tpu.memory_space<vmem>>)
      %dma_start3A_17 = arith.constant 0 : i32
      %dma_start3A_18 = tpu.memref_slice %arg9[%scan3A_6, %dma_start3A_17] : memref<125x40xi32, #tpu.memory_space<vmem>> -> memref<1x40xi32, #tpu.memory_space<vmem>>
      %dma_start3A_19 = tpu.memref_squeeze %dma_start3A_18 : memref<1x40xi32, #tpu.memory_space<vmem>> -> memref<40xi32, #tpu.memory_space<vmem>>
      %dma_start3A_20 = arith.constant 0 : i32
      %dma_start3A_21 = arith.constant 0 : i32
      %dma_start3A_22 = tpu.memref_slice %arg3[%dma_start3A_20, %dma_start3A_21] : memref<10000x128xf32, #tpu.memory_space<hbm>> -> memref<10000x128xf32, #tpu.memory_space<hbm>>
      tpu.enqueue_indirect_dma source(%dma_start3A_22 : memref<10000x128xf32, #tpu.memory_space<hbm>>) target(%arg11 : memref<40x128xf32, #tpu.memory_space<vmem>>) offsets(%dma_start3A_19 : memref<40xi32, #tpu.memory_space<vmem>>) semaphore(%arg12 : memref<!tpu.dma_semaphore, #tpu.memory_space<semaphore_mem>>)
      %dma_wait3A_23 = arith.constant 0 : i32
      %dma_wait3A_24 = tpu.memref_slice %arg9[%scan3A_6, %dma_wait3A_23] : memref<125x40xi32, #tpu.memory_space<vmem>> -> memref<1x40xi32, #tpu.memory_space<vmem>>
      %dma_wait3A_25 = tpu.memref_squeeze %dma_wait3A_24 : memref<1x40xi32, #tpu.memory_space<vmem>> -> memref<40xi32, #tpu.memory_space<vmem>>
      %dma_wait3A_26 = arith.constant 0 : i32
      %dma_wait3A_27 = arith.constant 0 : i32
      %dma_wait3A_28 = tpu.memref_slice %arg3[%dma_wait3A_26, %dma_wait3A_27] : memref<10000x128xf32, #tpu.memory_space<hbm>> -> memref<10000x128xf32, #tpu.memory_space<hbm>>
      tpu.wait_indirect_dma semaphore(%arg12 : memref<!tpu.dma_semaphore, #tpu.memory_space<semaphore_mem>>) src(%dma_wait3A_28 : memref<10000x128xf32, #tpu.memory_space<hbm>>) dst(%arg11 : memref<40x128xf32, #tpu.memory_space<vmem>>)
      %mul3A_29 = arith.constant 5000 : i32
      %mul3A_30 = arith.muli %add3A, %mul3A_29 : i32
      %mul3A_31 = arith.constant 40 : i32
      %mul3A_32 = arith.muli %scan3A_6, %mul3A_31 : i32
      %add3A_33 = arith.addi %mul3A_30, %mul3A_32 : i32
      "tpu.region"() ({
        %run_scoped3A = tpu.sem_alloc : memref<!tpu.dma_semaphore, #tpu.memory_space<semaphore_mem>>
        %dma_start3A_34 = arith.constant 0 : i32
        %dma_start3A_35 = tpu.memref_slice %arg6[%add3A_33, %dma_start3A_34] : memref<160000x128xf32, #tpu.memory_space<hbm>> -> memref<40x128xf32, #tpu.memory_space<hbm>>
        %dma_start3A_36 = arith.constant 0 : i32
        %dma_start3A_37 = tpu.memref_slice %arg6[%add3A_33, %dma_start3A_36] : memref<160000x128xf32, #tpu.memory_space<hbm>> -> memref<40x128xf32, #tpu.memory_space<hbm>>
        tpu.enqueue_dma source(%arg10 : memref<40x128xf32, #tpu.memory_space<vmem>>) target(%dma_start3A_37 : memref<40x128xf32, #tpu.memory_space<hbm>>) target_semaphore(%run_scoped3A : memref<!tpu.dma_semaphore, #tpu.memory_space<semaphore_mem>>)
        %dma_wait3A_38 = arith.constant 0 : i32
        %dma_wait3A_39 = tpu.memref_slice %arg6[%add3A_33, %dma_wait3A_38] : memref<160000x128xf32, #tpu.memory_space<hbm>> -> memref<40x128xf32, #tpu.memory_space<hbm>>
        %dma_wait3A_40 = arith.constant 0 : i32
        %dma_wait3A_41 = tpu.memref_slice %arg6[%add3A_33, %dma_wait3A_40] : memref<160000x128xf32, #tpu.memory_space<hbm>> -> memref<40x128xf32, #tpu.memory_space<hbm>>
        tpu.wait_dma2 semaphore(%run_scoped3A : memref<!tpu.dma_semaphore, #tpu.memory_space<semaphore_mem>>) src(%arg10 : memref<40x128xf32, #tpu.memory_space<vmem>>) dst(%dma_wait3A_41 : memref<40x128xf32, #tpu.memory_space<hbm>>)
        tpu.yield
      }) : () -> ()
      "tpu.region"() ({
        %run_scoped3A = tpu.sem_alloc : memref<!tpu.dma_semaphore, #tpu.memory_space<semaphore_mem>>
        %dma_start3A_34 = arith.constant 0 : i32
        %dma_start3A_35 = tpu.memref_slice %arg7[%add3A_33, %dma_start3A_34] : memref<160000x128xf32, #tpu.memory_space<hbm>> -> memref<40x128xf32, #tpu.memory_space<hbm>>
        %dma_start3A_36 = arith.constant 0 : i32
        %dma_start3A_37 = tpu.memref_slice %arg7[%add3A_33, %dma_start3A_36] : memref<160000x128xf32, #tpu.memory_space<hbm>> -> memref<40x128xf32, #tpu.memory_space<hbm>>
        tpu.enqueue_dma source(%arg11 : memref<40x128xf32, #tpu.memory_space<vmem>>) target(%dma_start3A_37 : memref<40x128xf32, #tpu.memory_space<hbm>>) target_semaphore(%run_scoped3A : memref<!tpu.dma_semaphore, #tpu.memory_space<semaphore_mem>>)
        %dma_wait3A_38 = arith.constant 0 : i32
        %dma_wait3A_39 = tpu.memref_slice %arg7[%add3A_33, %dma_wait3A_38] : memref<160000x128xf32, #tpu.memory_space<hbm>> -> memref<40x128xf32, #tpu.memory_space<hbm>>
        %dma_wait3A_40 = arith.constant 0 : i32
        %dma_wait3A_41 = tpu.memref_slice %arg7[%add3A_33, %dma_wait3A_40] : memref<160000x128xf32, #tpu.memory_space<hbm>> -> memref<40x128xf32, #tpu.memory_space<hbm>>
        tpu.wait_dma2 semaphore(%run_scoped3A : memref<!tpu.dma_semaphore, #tpu.memory_space<semaphore_mem>>) src(%arg11 : memref<40x128xf32, #tpu.memory_space<vmem>>) dst(%dma_wait3A_41 : memref<40x128xf32, #tpu.memory_space<hbm>>)
        tpu.yield
      }) : () -> ()
    }
    %scan3A_5 = arith.constant 125 : i32
    return
  }
}

module attributes {stable_mosaic.version = 14 : i64} {
  func.func @_tc1_fn(%arg0: i32, %arg1: memref<1000x256xf32, #tpu.memory_space<vmem>>, %arg2: memref<1000x1xf32, #tpu.memory_space<vmem>>, %arg3: memref<1000x256xf32, #tpu.memory_space<vmem>>, %arg4: memref<256x512xf32, #tpu.memory_space<vmem>>, %arg5: memref<1x512xf32, #tpu.memory_space<vmem>>, %arg6: memref<256x512xf32, #tpu.memory_space<vmem>>, %arg7: memref<1000x512xf32, #tpu.memory_space<vmem>>) attributes {dimension_semantics = [#tpu.dimension_semantics<arbitrary>], iteration_bounds = array<i64: 10>, scalar_prefetch = 0 : i64, scratch_operands = 0 : i64, tpu.core_type = #tpu.core_type<tc>, window_params = [{transform_indices = @transform_0, window_bounds = array<i64: 1000, 256>}, {transform_indices = @transform_1, window_bounds = array<i64: 1000, 1>}, {transform_indices = @transform_2, window_bounds = array<i64: 1000, 256>}, {pipeline_mode = #tpu.pipeline_mode<synchronous>, transform_indices = @transform_3, window_bounds = array<i64: 256, 512>}, {pipeline_mode = #tpu.pipeline_mode<synchronous>, transform_indices = @transform_4, window_bounds = array<i64: 1, 512>}, {pipeline_mode = #tpu.pipeline_mode<synchronous>, transform_indices = @transform_5, window_bounds = array<i64: 256, 512>}, {transform_indices = @transform_6, window_bounds = array<i64: 1000, 512>}]} {
    %get3A = arith.constant 0 : index
    %get3A_0 = arith.constant 0 : index
    %get3A_1 = vector.load %arg2[%get3A, %get3A_0] : memref<1000x1xf32, #tpu.memory_space<vmem>>, vector<1000x1xf32>
    %max3A = arith.constant 1.000000e+00 : f32
    %max3A_2 = vector.broadcast %max3A : f32 to vector<1000x1xf32>
    %max3A_3 = arith.maximumf %get3A_1, %max3A_2 : vector<1000x1xf32>
    %div3A = arith.constant 1.000000e+00 : f32
    %div3A_4 = vector.broadcast %div3A : f32 to vector<1000x1xf32>
    %div3A_5 = arith.divf %div3A_4, %max3A_3 : vector<1000x1xf32>
    %get3A_6 = arith.constant 0 : index
    %get3A_7 = arith.constant 0 : index
    %get3A_8 = vector.load %arg1[%get3A_6, %get3A_7] : memref<1000x256xf32, #tpu.memory_space<vmem>>, vector<1000x256xf32>
    %mul3A = vector.broadcast %div3A_5 : vector<1000x1xf32> to vector<1000x256xf32>
    %mul3A_9 = arith.mulf %get3A_8, %mul3A : vector<1000x256xf32>
    %get3A_10 = arith.constant 0 : index
    %get3A_11 = arith.constant 0 : index
    %get3A_12 = vector.load %arg4[%get3A_10, %get3A_11] : memref<256x512xf32, #tpu.memory_space<vmem>>, vector<256x512xf32>
    %dot_general3A = arith.constant dense<0.000000e+00> : vector<1000x512xf32>
    %dot_general3A_13 = tpu.matmul %mul3A_9, %get3A_12, %dot_general3A {dimension_numbers = #tpu.dot_dimension_numbers<[1], [0], [0], [1], [0, 0, 1, 1], [], []>, transpose_lhs_hint = false} : vector<1000x256xf32>, vector<256x512xf32>, vector<1000x512xf32> -> vector<1000x512xf32>
    %get3A_14 = arith.constant 0 : index
    %get3A_15 = arith.constant 0 : index
    %get3A_16 = vector.load %arg3[%get3A_14, %get3A_15] : memref<1000x256xf32, #tpu.memory_space<vmem>>, vector<1000x256xf32>
    %get3A_17 = arith.constant 0 : index
    %get3A_18 = arith.constant 0 : index
    %get3A_19 = vector.load %arg6[%get3A_17, %get3A_18] : memref<256x512xf32, #tpu.memory_space<vmem>>, vector<256x512xf32>
    %dot_general3A_20 = arith.constant dense<0.000000e+00> : vector<1000x512xf32>
    %dot_general3A_21 = tpu.matmul %get3A_16, %get3A_19, %dot_general3A_20 {dimension_numbers = #tpu.dot_dimension_numbers<[1], [0], [0], [1], [0, 0, 1, 1], [], []>, transpose_lhs_hint = false} : vector<1000x256xf32>, vector<256x512xf32>, vector<1000x512xf32> -> vector<1000x512xf32>
    %add3A = arith.addf %dot_general3A_13, %dot_general3A_21 : vector<1000x512xf32>
    %get3A_22 = arith.constant 0 : index
    %get3A_23 = arith.constant 0 : index
    %get3A_24 = vector.load %arg5[%get3A_22, %get3A_23] : memref<1x512xf32, #tpu.memory_space<vmem>>, vector<1x512xf32>
    %add3A_25 = vector.broadcast %get3A_24 : vector<1x512xf32> to vector<1000x512xf32>
    %add3A_26 = arith.addf %add3A, %add3A_25 : vector<1000x512xf32>
    %max3A_27 = arith.constant 0.000000e+00 : f32
    %max3A_28 = vector.broadcast %max3A_27 : f32 to vector<1000x512xf32>
    %max3A_29 = arith.maximumf %add3A_26, %max3A_28 : vector<1000x512xf32>
    %swap3A = arith.constant 0 : index
    %swap3A_30 = arith.constant 0 : index
    %swap3A_31 = vector.load %arg7[%swap3A, %swap3A_30] : memref<1000x512xf32, #tpu.memory_space<vmem>>, vector<1000x512xf32>
    tpu.vector_store %arg7[%swap3A, %swap3A_30], %max3A_29 {strides = array<i32>} : memref<1000x512xf32, #tpu.memory_space<vmem>>, vector<1000x512xf32>,
    return
  }
  func.func @transform_0(%arg0: i32) -> (i32, i32) {
    %c0_i32 = arith.constant 0 : i32
    %c0_i32_0 = arith.constant 0 : i32
    return %arg0, %c0_i32 : i32, i32
  }
  func.func @transform_1(%arg0: i32) -> (i32, i32) {
    %c0_i32 = arith.constant 0 : i32
    %c0_i32_0 = arith.constant 0 : i32
    return %arg0, %c0_i32 : i32, i32
  }
  func.func @transform_2(%arg0: i32) -> (i32, i32) {
    %c0_i32 = arith.constant 0 : i32
    %c0_i32_0 = arith.constant 0 : i32
    return %arg0, %c0_i32 : i32, i32
  }
  func.func @transform_3(%arg0: i32) -> (i32, i32) {
    %c0_i32 = arith.constant 0 : i32
    %c0_i32_0 = arith.constant 0 : i32
    %c0_i32_1 = arith.constant 0 : i32
    return %c0_i32, %c0_i32_0 : i32, i32
  }
  func.func @transform_4(%arg0: i32) -> (i32, i32) {
    %c0_i32 = arith.constant 0 : i32
    %c0_i32_0 = arith.constant 0 : i32
    %c0_i32_1 = arith.constant 0 : i32
    return %c0_i32, %c0_i32_0 : i32, i32
  }
  func.func @transform_5(%arg0: i32) -> (i32, i32) {
    %c0_i32 = arith.constant 0 : i32
    %c0_i32_0 = arith.constant 0 : i32
    %c0_i32_1 = arith.constant 0 : i32
    return %c0_i32, %c0_i32_0 : i32, i32
  }
  func.func @transform_6(%arg0: i32) -> (i32, i32) {
    %c0_i32 = arith.constant 0 : i32
    %c0_i32_0 = arith.constant 0 : i32
    return %arg0, %c0_i32 : i32, i32
  }
}

module attributes {stable_mosaic.version = 14 : i64} {
  func.func @_tc2_fn(%arg0: i32, %arg1: memref<1000x512xf32, #tpu.memory_space<vmem>>, %arg2: memref<1000x1xf32, #tpu.memory_space<vmem>>, %arg3: memref<1000x512xf32, #tpu.memory_space<vmem>>, %arg4: memref<512x512xf32, #tpu.memory_space<vmem>>, %arg5: memref<1x512xf32, #tpu.memory_space<vmem>>, %arg6: memref<512x512xf32, #tpu.memory_space<vmem>>, %arg7: memref<512x128xf32, #tpu.memory_space<vmem>>, %arg8: memref<512x128xf32, #tpu.memory_space<vmem>>, %arg9: memref<1x128xf32, #tpu.memory_space<vmem>>, %arg10: memref<1000x128xf32, #tpu.memory_space<vmem>>, %arg11: memref<1000x128xf32, #tpu.memory_space<vmem>>) attributes {dimension_semantics = [#tpu.dimension_semantics<arbitrary>], iteration_bounds = array<i64: 10>, scalar_prefetch = 0 : i64, scratch_operands = 0 : i64, tpu.core_type = #tpu.core_type<tc>, window_params = [{transform_indices = @transform_0, window_bounds = array<i64: 1000, 512>}, {transform_indices = @transform_1, window_bounds = array<i64: 1000, 1>}, {transform_indices = @transform_2, window_bounds = array<i64: 1000, 512>}, {pipeline_mode = #tpu.pipeline_mode<synchronous>, transform_indices = @transform_3, window_bounds = array<i64: 512, 512>}, {pipeline_mode = #tpu.pipeline_mode<synchronous>, transform_indices = @transform_4, window_bounds = array<i64: 1, 512>}, {pipeline_mode = #tpu.pipeline_mode<synchronous>, transform_indices = @transform_5, window_bounds = array<i64: 512, 512>}, {pipeline_mode = #tpu.pipeline_mode<synchronous>, transform_indices = @transform_6, window_bounds = array<i64: 512, 128>}, {pipeline_mode = #tpu.pipeline_mode<synchronous>, transform_indices = @transform_7, window_bounds = array<i64: 512, 128>}, {pipeline_mode = #tpu.pipeline_mode<synchronous>, transform_indices = @transform_8, window_bounds = array<i64: 1, 128>}, {transform_indices = @transform_9, window_bounds = array<i64: 1000, 128>}, {transform_indices = @transform_10, window_bounds = array<i64: 1000, 128>}]} {
    %get3A = arith.constant 0 : index
    %get3A_0 = arith.constant 0 : index
    %get3A_1 = vector.load %arg2[%get3A, %get3A_0] : memref<1000x1xf32, #tpu.memory_space<vmem>>, vector<1000x1xf32>
    %max3A = arith.constant 1.000000e+00 : f32
    %max3A_2 = vector.broadcast %max3A : f32 to vector<1000x1xf32>
    %max3A_3 = arith.maximumf %get3A_1, %max3A_2 : vector<1000x1xf32>
    %div3A = arith.constant 1.000000e+00 : f32
    %div3A_4 = vector.broadcast %div3A : f32 to vector<1000x1xf32>
    %div3A_5 = arith.divf %div3A_4, %max3A_3 : vector<1000x1xf32>
    %get3A_6 = arith.constant 0 : index
    %get3A_7 = arith.constant 0 : index
    %get3A_8 = vector.load %arg1[%get3A_6, %get3A_7] : memref<1000x512xf32, #tpu.memory_space<vmem>>, vector<1000x512xf32>
    %mul3A = vector.broadcast %div3A_5 : vector<1000x1xf32> to vector<1000x512xf32>
    %mul3A_9 = arith.mulf %get3A_8, %mul3A : vector<1000x512xf32>
    %get3A_10 = arith.constant 0 : index
    %get3A_11 = arith.constant 0 : index
    %get3A_12 = vector.load %arg4[%get3A_10, %get3A_11] : memref<512x512xf32, #tpu.memory_space<vmem>>, vector<512x512xf32>
    %dot_general3A = arith.constant dense<0.000000e+00> : vector<1000x512xf32>
    %dot_general3A_13 = tpu.matmul %mul3A_9, %get3A_12, %dot_general3A {dimension_numbers = #tpu.dot_dimension_numbers<[1], [0], [0], [1], [0, 0, 1, 1], [], []>, transpose_lhs_hint = false} : vector<1000x512xf32>, vector<512x512xf32>, vector<1000x512xf32> -> vector<1000x512xf32>
    %get3A_14 = arith.constant 0 : index
    %get3A_15 = arith.constant 0 : index
    %get3A_16 = vector.load %arg3[%get3A_14, %get3A_15] : memref<1000x512xf32, #tpu.memory_space<vmem>>, vector<1000x512xf32>
    %get3A_17 = arith.constant 0 : index
    %get3A_18 = arith.constant 0 : index
    %get3A_19 = vector.load %arg6[%get3A_17, %get3A_18] : memref<512x512xf32, #tpu.memory_space<vmem>>, vector<512x512xf32>
    %dot_general3A_20 = arith.constant dense<0.000000e+00> : vector<1000x512xf32>
    %dot_general3A_21 = tpu.matmul %get3A_16, %get3A_19, %dot_general3A_20 {dimension_numbers = #tpu.dot_dimension_numbers<[1], [0], [0], [1], [0, 0, 1, 1], [], []>, transpose_lhs_hint = false} : vector<1000x512xf32>, vector<512x512xf32>, vector<1000x512xf32> -> vector<1000x512xf32>
    %add3A = arith.addf %dot_general3A_13, %dot_general3A_21 : vector<1000x512xf32>
    %get3A_22 = arith.constant 0 : index
    %get3A_23 = arith.constant 0 : index
    %get3A_24 = vector.load %arg5[%get3A_22, %get3A_23] : memref<1x512xf32, #tpu.memory_space<vmem>>, vector<1x512xf32>
    %add3A_25 = vector.broadcast %get3A_24 : vector<1x512xf32> to vector<1000x512xf32>
    %add3A_26 = arith.addf %add3A, %add3A_25 : vector<1000x512xf32>
    %get3A_27 = arith.constant 0 : index
    %get3A_28 = arith.constant 0 : index
    %get3A_29 = vector.load %arg7[%get3A_27, %get3A_28] : memref<512x128xf32, #tpu.memory_space<vmem>>, vector<512x128xf32>
    %dot_general3A_30 = arith.constant dense<0.000000e+00> : vector<1000x128xf32>
    %dot_general3A_31 = tpu.matmul %add3A_26, %get3A_29, %dot_general3A_30 {dimension_numbers = #tpu.dot_dimension_numbers<[1], [0], [0], [1], [0, 0, 1, 1], [], []>, transpose_lhs_hint = false} : vector<1000x512xf32>, vector<512x128xf32>, vector<1000x128xf32> -> vector<1000x128xf32>
    %get3A_32 = arith.constant 0 : index
    %get3A_33 = arith.constant 0 : index
    %get3A_34 = vector.load %arg9[%get3A_32, %get3A_33] : memref<1x128xf32, #tpu.memory_space<vmem>>, vector<1x128xf32>
    %add3A_35 = vector.broadcast %get3A_34 : vector<1x128xf32> to vector<1000x128xf32>
    %add3A_36 = arith.addf %dot_general3A_31, %add3A_35 : vector<1000x128xf32>
    %swap3A = arith.constant 0 : index
    %swap3A_37 = arith.constant 0 : index
    %swap3A_38 = vector.load %arg10[%swap3A, %swap3A_37] : memref<1000x128xf32, #tpu.memory_space<vmem>>, vector<1000x128xf32>
    tpu.vector_store %arg10[%swap3A, %swap3A_37], %add3A_36 {strides = array<i32>} : memref<1000x128xf32, #tpu.memory_space<vmem>>, vector<1000x128xf32>,
    %get3A_39 = arith.constant 0 : index
    %get3A_40 = arith.constant 0 : index
    %get3A_41 = vector.load %arg8[%get3A_39, %get3A_40] : memref<512x128xf32, #tpu.memory_space<vmem>>, vector<512x128xf32>
    %dot_general3A_42 = arith.constant dense<0.000000e+00> : vector<1000x128xf32>
    %dot_general3A_43 = tpu.matmul %add3A_26, %get3A_41, %dot_general3A_42 {dimension_numbers = #tpu.dot_dimension_numbers<[1], [0], [0], [1], [0, 0, 1, 1], [], []>, transpose_lhs_hint = false} : vector<1000x512xf32>, vector<512x128xf32>, vector<1000x128xf32> -> vector<1000x128xf32>
    %swap3A_44 = arith.constant 0 : index
    %swap3A_45 = arith.constant 0 : index
    %swap3A_46 = vector.load %arg11[%swap3A_44, %swap3A_45] : memref<1000x128xf32, #tpu.memory_space<vmem>>, vector<1000x128xf32>
    tpu.vector_store %arg11[%swap3A_44, %swap3A_45], %dot_general3A_43 {strides = array<i32>} : memref<1000x128xf32, #tpu.memory_space<vmem>>, vector<1000x128xf32>,
    return
  }
  func.func @transform_0(%arg0: i32) -> (i32, i32) {
    %c0_i32 = arith.constant 0 : i32
    %c0_i32_0 = arith.constant 0 : i32
    return %arg0, %c0_i32 : i32, i32
  }
  func.func @transform_1(%arg0: i32) -> (i32, i32) {
    %c0_i32 = arith.constant 0 : i32
    %c0_i32_0 = arith.constant 0 : i32
    return %arg0, %c0_i32 : i32, i32
  }
  func.func @transform_2(%arg0: i32) -> (i32, i32) {
    %c0_i32 = arith.constant 0 : i32
    %c0_i32_0 = arith.constant 0 : i32
    return %arg0, %c0_i32 : i32, i32
  }
  func.func @transform_3(%arg0: i32) -> (i32, i32) {
    %c0_i32 = arith.constant 0 : i32
    %c0_i32_0 = arith.constant 0 : i32
    %c0_i32_1 = arith.constant 0 : i32
    return %c0_i32, %c0_i32_0 : i32, i32
  }
  func.func @transform_4(%arg0: i32) -> (i32, i32) {
    %c0_i32 = arith.constant 0 : i32
    %c0_i32_0 = arith.constant 0 : i32
    %c0_i32_1 = arith.constant 0 : i32
    return %c0_i32, %c0_i32_0 : i32, i32
  }
  func.func @transform_5(%arg0: i32) -> (i32, i32) {
    %c0_i32 = arith.constant 0 : i32
    %c0_i32_0 = arith.constant 0 : i32
    %c0_i32_1 = arith.constant 0 : i32
    return %c0_i32, %c0_i32_0 : i32, i32
  }
  func.func @transform_6(%arg0: i32) -> (i32, i32) {
    %c0_i32 = arith.constant 0 : i32
    %c0_i32_0 = arith.constant 0 : i32
    %c0_i32_1 = arith.constant 0 : i32
    return %c0_i32, %c0_i32_0 : i32, i32
  }
  func.func @transform_7(%arg0: i32) -> (i32, i32) {
    %c0_i32 = arith.constant 0 : i32
    %c0_i32_0 = arith.constant 0 : i32
    %c0_i32_1 = arith.constant 0 : i32
    return %c0_i32, %c0_i32_0 : i32, i32
  }
  func.func @transform_8(%arg0: i32) -> (i32, i32) {
    %c0_i32 = arith.constant 0 : i32
    %c0_i32_0 = arith.constant 0 : i32
    %c0_i32_1 = arith.constant 0 : i32
    return %c0_i32, %c0_i32_0 : i32, i32
  }
  func.func @transform_9(%arg0: i32) -> (i32, i32) {
    %c0_i32 = arith.constant 0 : i32
    %c0_i32_0 = arith.constant 0 : i32
    return %arg0, %c0_i32 : i32, i32
  }
  func.func @transform_10(%arg0: i32) -> (i32, i32) {
    %c0_i32 = arith.constant 0 : i32
    %c0_i32_0 = arith.constant 0 : i32
    return %arg0, %c0_i32 : i32, i32
  }
}

module attributes {stable_mosaic.version = 14 : i64} {
  func.func @_tc3_fn(%arg0: i32, %arg1: memref<4000x128xf32, #tpu.memory_space<vmem>>, %arg2: memref<4000x128xf32, #tpu.memory_space<vmem>>, %arg3: memref<1x128xf32, #tpu.memory_space<vmem>>, %arg4: memref<4000x1xf32, #tpu.memory_space<vmem>>) attributes {dimension_semantics = [#tpu.dimension_semantics<arbitrary>], iteration_bounds = array<i64: 40>, scalar_prefetch = 0 : i64, scratch_operands = 0 : i64, tpu.core_type = #tpu.core_type<tc>, window_params = [{transform_indices = @transform_0, window_bounds = array<i64: 4000, 128>}, {transform_indices = @transform_1, window_bounds = array<i64: 4000, 128>}, {pipeline_mode = #tpu.pipeline_mode<synchronous>, transform_indices = @transform_2, window_bounds = array<i64: 1, 128>}, {transform_indices = @transform_3, window_bounds = array<i64: 4000, 1>}]} {
    %get3A = arith.constant 0 : index
    %get3A_0 = arith.constant 0 : index
    %get3A_1 = vector.load %arg1[%get3A, %get3A_0] : memref<4000x128xf32, #tpu.memory_space<vmem>>, vector<4000x128xf32>
    %get3A_2 = arith.constant 0 : index
    %get3A_3 = arith.constant 0 : index
    %get3A_4 = vector.load %arg2[%get3A_2, %get3A_3] : memref<4000x128xf32, #tpu.memory_space<vmem>>, vector<4000x128xf32>
    %add3A = arith.addf %get3A_1, %get3A_4 : vector<4000x128xf32>
    %max3A = arith.constant 0.000000e+00 : f32
    %max3A_5 = vector.broadcast %max3A : f32 to vector<4000x128xf32>
    %max3A_6 = arith.maximumf %add3A, %max3A_5 : vector<4000x128xf32>
    %get3A_7 = arith.constant 0 : index
    %get3A_8 = arith.constant 0 : index
    %get3A_9 = vector.load %arg3[%get3A_7, %get3A_8] : memref<1x128xf32, #tpu.memory_space<vmem>>, vector<1x128xf32>
    %dot_general3A = arith.constant dense<0.000000e+00> : vector<4000x1xf32>
    %dot_general3A_10 = tpu.matmul %max3A_6, %get3A_9, %dot_general3A {dimension_numbers = #tpu.dot_dimension_numbers<[1], [1], [0], [0], [0, 0, 1, 0], [], []>, transpose_lhs_hint = false} : vector<4000x128xf32>, vector<1x128xf32>, vector<4000x1xf32> -> vector<4000x1xf32>
    %swap3A = arith.constant 0 : index
    %swap3A_11 = arith.constant 0 : index
    %swap3A_12 = vector.load %arg4[%swap3A, %swap3A_11] : memref<4000x1xf32, #tpu.memory_space<vmem>>, vector<4000x1xf32>
    tpu.vector_store %arg4[%swap3A, %swap3A_11], %dot_general3A_10 {strides = array<i32>} : memref<4000x1xf32, #tpu.memory_space<vmem>>, vector<4000x1xf32>,
    return
  }
  func.func @transform_0(%arg0: i32) -> (i32, i32) {
    %c0_i32 = arith.constant 0 : i32
    %c0_i32_0 = arith.constant 0 : i32
    return %arg0, %c0_i32 : i32, i32
  }
  func.func @transform_1(%arg0: i32) -> (i32, i32) {
    %c0_i32 = arith.constant 0 : i32
    %c0_i32_0 = arith.constant 0 : i32
    return %arg0, %c0_i32 : i32, i32
  }
  func.func @transform_2(%arg0: i32) -> (i32, i32) {
    %c0_i32 = arith.constant 0 : i32
    %c0_i32_0 = arith.constant 0 : i32
    %c0_i32_1 = arith.constant 0 : i32
    return %c0_i32, %c0_i32_0 : i32, i32
  }
  func.func @transform_3(%arg0: i32) -> (i32, i32) {
    %c0_i32 = arith.constant 0 : i32
    %c0_i32_0 = arith.constant 0 : i32
    return %arg0, %c0_i32 : i32, i32
  }
}

</mosaic_0001>

<sc_bundles>
// kernel: kernel.12.cloned.1.call-start
scs
__scs_entry_jumppad:
0x0: {  	(pc) =	sbr.rel $0x88, $3  }
0x1: {  	(tag) =	ssettag $0x0;
	lr =	simm.s32 $0x1  }
0x2: {  	[smem:$0x3F95] =	sst lr;
	_ =	strace $0xD0000000  }
0x3: {  	_ = 	snop  }
0x4: {  	_ = 	snop  }
0x5: {  	_ = 	snop  }
0x6: {  	_ = 	snop  }
0x7: {  	_ = 	snop  }
__scs_overlays_trampoline_lowered:
0x8: {  	[smem:$0x3FA4] =	sst s0  }
0x9: {  	[smem:$0x3FA5] =	sst s1  }
0xa: {  	[smem:$0x3FA6] =	sst s2  }
0xb: {  	[smem:$0x3FA7] =	sst s3  }
0xc: {  	[smem:$0x3FA8] =	sst s4  }
0xd: {  	[smem:$0x3FA9] =	sst s5  }
0xe: {  	[smem:$0x3FAA] =	sst s6  }
0xf: {  	[smem:$0x3FAB] =	sst s7  }
0x10: {  	[smem:$0x3FAC] =	sst s8  }
0x11: {  	[smem:$0x3FAD] =	sst s9;
	s0 =	simm.s32 @!p0 $0x0  }
0x12: {  	s1 =	sld [smem:$0x3F93];
	s0 =	simm.s32 @p0 $0x1  }
0x13: {  	[smem:$0x3FAE] =	sst s0;
	s0 =	simm.s32 @!p1 $0x0  }
0x14: {  	s2 =	sld [smem:$0x3F92];
	s0 =	simm.s32 @p1 $0x1  }
0x15: {  	[smem:$0x3FAF] =	sst s0;
	s0 =	simm.s32 @!p2 $0x0  }
0x16: {  	s3 =	sld [smem:$0x3FDB];
	s0 =	simm.s32 @p2 $0x1  }
0x17: {  	s4 =	simm.s32 $0x1BF5;
	[smem:$0x3FB1] =	sst s0  }
0x18: {  	s0 =	sld [smem:$0x3F94];
	_ =	swait.ge [sflag:s4], $0x0  }
0x19: {  	s7 =	sld [smem:$0x3F95]  }
0x1a: {  	s8 =	sadd.s32 $0xFFFFE003, lr  }
0x1b: {  	s9 =	sadd.s32 $0xFFFFFEF7, lr;
	s5 =	simm.s32 $0xFFFFFFFF;
	p2 =	slt.u32 s8, $0xFFFFF086  }
0x1c: {  	p1 =	slt.u32 s9, $0xF7A;
	s5 =	simm.s32 @!p2 $0x0  }
0x1d: {  	s5 =	simm.s32 @p1 $0x1;
	p0 =	seq.s32 s7, s2  }
0x1e: {  	s7 =	smul.u32 @!p0 $0xF7A, s2;
	p2 =	seq.s32 @!p0 s5, $0x0  }
0x1f: {  	s9 =	smul.u32 $0xF7A, s1;
	s8 =	simm.s32 @!p0 $0x1BF5;
	p2 =	por !p2, p0  }
0x20: {  	[sflag:s8] =	ssyncset.s32 @!p0 $0xFFFFF086;
	s6 =	sadd.s32 @!p0 s3, s7;
	s7 =	simm.s32 @!p0 $0x108  }
0x21: {  	s3 =	sadd.s32 s3, s9;
	s6 =	sadd.s32 @!p0 $0x88, s6;
	s7 =	simm.s32 @p2 $0x1082  }
0x22: {  	[simem:s7], [sflag:s8] =	dma.local @!p0 [hbm:s6], $0xF7A  }
0x23: {  	s9 =	sor.u32 $0xD0000000, s2;
	s6 =	simm.s32 $0x108;
	_ =	swait.ge @!p0 [sflag:s8], $0x0  }
0x24: {  	s3 =	sadd.s32 $0x88, s3;
	s6 =	simm.s32 @!p1 $0x1082;
	[sflag:s4] =	ssyncset.s32 $0xFFFFF086  }
0x25: {  	[simem:s6], [sflag:s4] =	dma.local [hbm:s3], $0xF7A  }
0x26: {  	[smem:$0x3F95] =	sst s1;
	(tag) =	ssettag s2;
	_ =	strace s9  }
0x27: {  	s1 =	sld [smem:$0x3FA5]  }
0x28: {  	s2 =	sld [smem:$0x3FA6]  }
0x29: {  	s4 =	sld [smem:$0x3FA8]  }
0x2a: {  	p0 =	seq.s32 s5, $0x0;
	s5 =	sld [smem:$0x3FA9]  }
0x2b: {  	s6 =	sld [smem:$0x3FAA]  }
0x2c: {  	s7 =	sld [smem:$0x3FAB]  }
0x2d: {  	s3 =	simm.s32 $0x108;
	s8 =	sld [smem:$0x3FAC]  }
0x2e: {  	s3 =	simm.s32 @!p0 $0x1082;
	s9 =	sld [smem:$0x3FAD]  }
0x2f: {  	lr =	sadd.s32 s0, s3;
	s0 =	sld [smem:$0x3FA4]  }
0x30: {  	s3 =	sld [smem:$0x3FA7]  }
0x31: {  	[smem:$0x3FB0] =	sst s10  }
0x32: {  	s10 =	sld [smem:$0x3FAE];
	_ =	sdelay $0x3  }
0x33: {  	p0 =	seq.s32 s10, $0x1;
	s10 =	sld [smem:$0x3FB0];
	_ =	sdelay $0x3  }
0x34: {  	[smem:$0x3FB0] =	sst s10  }
0x35: {  	s10 =	sld [smem:$0x3FAF];
	_ =	sdelay $0x3  }
0x36: {  	p1 =	seq.s32 s10, $0x1;
	s10 =	sld [smem:$0x3FB0];
	_ =	sdelay $0x3  }
0x37: {  	[smem:$0x3FB0] =	sst s10  }
0x38: {  	s10 =	sld [smem:$0x3FB1]  }
0x39: {  	_ = 	snop;
	(pc) =	sbr.ind lr, $3  }
0x3a: {  	_ = 	snop  }
0x3b: {  	_ = 	snop  }
0x3c: {  	p2 =	seq.s32 s10, $0x1;
	s10 =	sld [smem:$0x3FB0]  }
0x3d: {  	_ =	shalt  }
0x3e: {  	_ =	shalt  }
0x3f: {  	_ =	shalt  }
0x40: {  	_ =	shalt  }
0x41: {  	_ =	shalt  }
0x42: {  	_ =	shalt  }
0x43: {  	_ =	shalt  }
0x44: {  	_ =	shalt  }
0x45: {  	_ =	shalt  }
0x46: {  	_ =	shalt  }
0x47: {  	_ =	shalt  }
0x48: {  	_ =	shalt  }
0x49: {  	_ =	shalt  }
0x4a: {  	_ =	shalt  }
0x4b: {  	_ =	shalt  }
0x4c: {  	_ =	shalt  }
0x4d: {  	_ =	shalt  }
0x4e: {  	_ =	shalt  }
0x4f: {  	_ =	shalt  }
0x50: {  	_ =	shalt  }
0x51: {  	_ =	shalt  }
0x52: {  	_ =	shalt  }
0x53: {  	_ =	shalt  }
0x54: {  	_ =	shalt  }
0x55: {  	_ =	shalt  }
0x56: {  	_ =	shalt  }
0x57: {  	_ =	shalt  }
0x58: {  	_ =	shalt  }
0x59: {  	_ =	shalt  }
0x5a: {  	_ =	shalt  }
0x5b: {  	_ =	shalt  }
0x5c: {  	_ =	shalt  }
0x5d: {  	_ =	shalt  }
0x5e: {  	_ =	shalt  }
0x5f: {  	_ =	shalt  }
0x60: {  	_ =	shalt  }
0x61: {  	_ =	shalt  }
0x62: {  	_ =	shalt  }
0x63: {  	_ =	shalt  }
0x64: {  	_ =	shalt  }
0x65: {  	_ =	shalt  }
0x66: {  	_ =	shalt  }
0x67: {  	_ =	shalt  }
0x68: {  	_ =	shalt  }
0x69: {  	_ =	shalt  }
0x6a: {  	_ =	shalt  }
0x6b: {  	_ =	shalt  }
0x6c: {  	_ =	shalt  }
0x6d: {  	_ =	shalt  }
0x6e: {  	_ =	shalt  }
0x6f: {  	_ =	shalt  }
0x70: {  	_ =	shalt  }
0x71: {  	_ =	shalt  }
0x72: {  	_ =	shalt  }
0x73: {  	_ =	shalt  }
0x74: {  	_ =	shalt  }
0x75: {  	_ =	shalt  }
0x76: {  	_ =	shalt  }
0x77: {  	_ =	shalt  }
0x78: {  	_ =	shalt  }
0x79: {  	_ =	shalt  }
0x7a: {  	_ =	shalt  }
0x7b: {  	_ =	shalt  }
0x7c: {  	_ =	shalt  }
0x7d: {  	_ =	shalt  }
0x7e: {  	_ =	shalt  }
0x7f: {  	_ =	shalt  }
0x80: {  	_ =	shalt  }
0x81: {  	_ =	shalt  }
0x82: {  	_ =	shalt  }
0x83: {  	_ =	shalt  }
0x84: {  	_ =	shalt  }
0x85: {  	_ =	shalt  }
0x86: {  	_ =	shalt  }
0x87: {  	_ =	shalt  }
.Lfunc_end0:
.L_simem_size_0:
called_computation.1_lowered:
.L_overlay_start_0:
0x88: {  	s2 =	sld [smem:$0x3FD9]  }
0x89: {  	s3 =	sld [smem:$0x3FFE];
	_ =	sdelay $0x1  }
0x8a: {  	s1 =	srdreg.scid  }
0x8b: {  	s0 =	sand.u32 $0x1, s1  }
0x8c: {  	s16 =	sshll.u32 s0, $0xA;
	s2 =	sadd.s32 s3, s2  }
0x8d: {  	s2 =	sadd.s32 s2, s16  }
0x8e: {  	[smem:$0x3FBC] =	sst s2  }
0x8f: {  	_ = 	snop  }
0x90: {  	(tm) =	ssettm $0x1  }
0x91: {  	s17 =	sld [smem:$0x3FFB];
	_ =	sdelay $0x3  }
0x92: {  	_ =	strace s17  }
0x93: {  	s2 =	sld [smem:$0x3FFC];
	_ =	sdelay $0x3  }
0x94: {  	_ =	strace s2  }
0x95: {  	s2 =	sld [smem:$0x3FFD];
	_ =	sdelay $0x3  }
0x96: {  	_ =	strace s2  }
0x97: {  	_ =	strace $0x8FFFFFFF  }
0x98: {  	s18 =	sld [smem:$0x3FDB];
	_ =	sdelay $0x1  }
0x99: {  	s19 =	simm.s32 $_scs_section_size  }
0x9a: {  	s4 =	simm.s32 $_size__tile_overlayer_lowered;
	s5 =	simm.s32 $_tile_overlayer_lowered  }
0x9b: {  	s22 =	simm.s32 $0x1BFF;
	s21 =	sshll.u32 s5, $0x1;
	s2 =	sadd.s32 s19, s18  }
0x9c: {  	s6 =	simm.s32 $0x0;
	s20 =	sshll.u32 s4, $0x1;
	s4 =	sadd.s32 s21, s2  }
0x9d: {  	[timem:s6], [sflag:s22] =	dma.local [hbm:s4], s20  }
0x9e: {  	_ =	swait.ge [sflag:s22], s20  }
0x9f: {  	s3 =	ssub.s32 $0x0, s20;
	[sflag:s22] =	ssyncset.done $0x0  }
0xa0: {  	[sflag:s22] =	ssyncadd.s32 s3;
	_ =	sdelay $0x1  }
0xa1: {  	s23 =	simm.s32 $0x1B8B  }
0xa2: {  	_ =	swait.ge [sflag:s23], $0x1  }
0xa3: {  	[sflag:s23] =	ssyncset.done $0x0  }
0xa4: {  	s25 =	simm.s32 $0x1B8E;
	s24 =	sld [smem:$0x3FFE];
	[sflag:s23] =	ssyncadd.s32 $0xFFFFFFFF  }
0xa5: {  	s26 =	simm.s32 $execute0_lowered;
	[smem:$0x3FD2] =	sst s25  }
0xa6: {  	s4 =	sshll.u32 s26, $0x1;
	_ =	strace $0x80000046;
	[dreg:$0x1] =	wrdreg $0xFFFFFFFF  }
0xa7: {  	s28 =	simm.s32 $_size_execute0_lowered;
	s2 =	sadd.s32 s2, s4;
	[dreg:$0x0] =	wrdreg $0x0  }
0xa8: {  	s4 =	sshll.u32 s28, $0x1;
	[dreg:$0x2] =	wrdreg s2  }
0xa9: {  	[dreg:$0x3] =	wrdreg s4  }
0xaa: {  	[dreg:$0x4] =	wrdreg $0xC0  }
0xab: {  	_ =	task [dreg:s6], $0x5FFFF  }
0xac: {  	[dreg:$0x1] =	wrdreg $0xFFFFFFFF  }
0xad: {  	[dreg:$0x0] =	wrdreg $0x60  }
0xae: {  	[dreg:$0x2] =	wrdreg s24  }
0xaf: {  	[dreg:$0x3] =	wrdreg $0xA8000  }
0xb0: {  	[dreg:$0x4] =	wrdreg $0xA  }
0xb1: {  	_ =	task.clear_ibuf [dreg:s6], $0x5FFFF;
	_ =	strace $0x90000046  }
0xb2: {  	s29 =	simm.s32 $0xA;
	_ =	strace $0x80000048  }
0xb3: {  	_ =	swait.ge [sflag:s29], $0x1  }
0xb4: {  	[sflag:s29] =	ssyncadd.s32 $0xFFFFFFFF  }
0xb5: {  	_ =	strace $0x90000048  }
0xb6: {  	_ =	sfence  }
0xb7: {  	s30 =	sld [smem:$0x0];
	_ =	sdelay $0x2  }
0xb8: {  	s31 =	sshll.u32 s1, $0xD;
	s1 =	sshrl.u32 s1, $0x2  }
0xb9: {  	s3 =	sand.u32 $0x4000, s31;
	s1 =	sadd.s32 s1, s30  }
0xba: {  	s0 =	sor.u32 s3, s0;
	s1 =	sshll.u32 s1, $0x11  }
0xbb: {  	s0 =	sor.u32 s1, s0  }
0xbc: {  	s0 =	sadd.s32 $0x8F2B, s0  }
0xbd: {  	[sflag:s0] =	ssyncadd.remote.s32 $0x1  }
0xbe: {  	_ =	sfence.sel $0xFFFF  }
0xbf: {  	[dreg:$0x0] =	wrdreg $0xFFFFFFFF;
	(pc) =	sbr.abs _section_cstart, $3  }
0xc0: {  	[dreg:$0x1] =	wrdreg $0xFFFFFFFF  }
0xc1: {  	_ =	task.clear_ibuf [dreg:s6], $0x2FFFF;
	_ =	strace $0x9FFFFFFF  }
0xc2: {  	(tm) =	ssettm $0x7FFFFFFF  }
0xc3: {  	_ =	shalt  }
tec
execute0_lowered:
.L_overlay_start_1:
0x0: {  	(tag) =	ssettag $0x1  }
0x1: {  	s9 =	rddreg [dreg:$0x0]  }
0x2: {  	s1 =	rddreg [dreg:$0x1];
	s2 =	srdreg.scid  }
0x3: {  	s0 =	rddreg [dreg:$0x2];
	s3 =	simm.s32 $0x0;
	s12 =	simm.s32 $0x12800  }
0x4: {  	s21 =	simm.s32 $0x50;
	s22 =	simm.s32 $0x8000;
	s7 =	sand.u32 $0x1, s2  }
0x5: {  	s23 =	simm.s32 $0x1;
	s2 =	stileid.u32;
	s4 =	smul.u32 $0x140000, s7  }
0x6: {  	s24 =	simm.s32 $0x0;
	[smem:$0x7FF] =	sst s3;
	s5 =	smul.u32 $0x14000, s2  }
0x7: {  	_ =	strace $0x80000047;
	s6 =	sshll.u32 s2, $0xB;
	s8 =	smul.u32 $0x50000, s2  }
0x8: {  	s10 =	ssub.s32 $0x2, s7;
	p0 =	seq.s32 s7, $0x1;
	s31 =	sshll.u32 s2, $0x6  }
0x9: {  	s6 =	sadd.s32 s6, s9;
	s30 =	sshrl.u32 s10, $0x1;
	s12 =	simm.s32 @!p0 $0x39A00  }
0xa: {  	s5 =	sadd.s32 s5, s4;
	s4 =	sadd.s32 $0x60C00, s9;
	s8 =	sshrl.u32 s8, $0x2  }
0xb: {  	s10 =	ssub.s32 s10, s30;
	s5 =	sshrl.u32 s5, $0x3;
	s13 =	sadd.s32 s8, s1  }
0xc: {  	s8 =	smax.u32 s10, $0x1;
	s10 =	simm.s32 $0x2;
	s11 =	sadd.s32 s5, s9  }
0xd: {  	s5 =	sadd.s32 $0xA800, s6;
	s6 =	sadd.s32 $0x2800, s6;
	s14 =	sadd.s32 $0x2800, s13  }
0xe: {  	s15 =	sadd.s32 $0x5000, s13;
	s16 =	sadd.s32 $0x7800, s13;
	s17 =	sadd.s32 $0xA000, s13  }
0xf: {  	s18 =	sadd.s32 $0xC800, s13;
	s19 =	sadd.s32 $0xF000, s13;
	s20 =	sadd.s32 $0x11800, s13  }
0x10: {  	s9 =	sadd.s32 s12, s9;
	s12 =	sor.u32 $0x1C02, s31;
	s13 =	sshrl.u32 s13, $0x3  }
0x11: {  	s7 =	sadd.s32 $0x61200, s11;
	s11 =	simm.s32 $0x4000;
	s14 =	sshrl.u32 s14, $0x3  }
0x12: {  	s15 =	sshrl.u32 s15, $0x3;
	s16 =	sshrl.u32 s16, $0x3;
	s17 =	sshrl.u32 s17, $0x3  }
0x13: {  	s18 =	sshrl.u32 s18, $0x3;
	s19 =	sshrl.u32 s19, $0x3;
	s20 =	sshrl.u32 s20, $0x3  }
.LBB2_1:
0x14: {  	[tilespmem:s3], [sflag:$0x2] =	stream.linear.gather [hbm4b:s5+s3], $0x3E80, $0x38;
	[tilespmem:$0x1E800] =	vst v63  }
0x15: {  	_ =	swait.ge [sflag:s10], $0x3E80  }
0x16: {  	[sflag:s10] =	ssyncset.done $0x0  }
0x17: {  	[sflag:s10] =	ssyncadd.s32 $0xFFFFC180  }
0x18: {  	[tilespmem:s11], [sflag:$0x2] =	stream.linear.gather [hbm4b:s6+s3], $0x3E80, $0x38;
	[tilespmem:$0x1E800] =	vst v63  }
0x19: {  	_ =	swait.ge [sflag:s10], $0x3E80  }
0x1a: {  	[sflag:s10] =	ssyncset.done $0x0  }
0x1b: {  	[sflag:s10] =	ssyncadd.s32 $0xFFFFC180  }
0x1c: {  	[spmem:s13], [sflag:s12] =	dma.local [hbm:s4], $0x500  }
0x1d: {  	_ =	swait.ge [sflag:s10], $0x500  }
0x1e: {  	[sflag:s10] =	ssyncset.done $0x0  }
0x1f: {  	[sflag:s10] =	ssyncadd.s32 $0xFFFFFB00  }
0x20: {  	[spmem:s14], [sflag:s12] =	dma.local [hbm:s4], $0x500  }
0x21: {  	_ =	swait.ge [sflag:s10], $0x500  }
0x22: {  	[sflag:s10] =	ssyncset.done $0x0  }
0x23: {  	[sflag:s10] =	ssyncadd.s32 $0xFFFFFB00  }
0x24: {  	[spmem:s15], [sflag:s12] =	dma.local [hbm:s4], $0x500  }
0x25: {  	_ =	swait.ge [sflag:s10], $0x500  }
0x26: {  	[sflag:s10] =	ssyncset.done $0x0  }
0x27: {  	[sflag:s10] =	ssyncadd.s32 $0xFFFFFB00  }
0x28: {  	[spmem:s16], [sflag:s12] =	dma.local [hbm:s4], $0x500  }
0x29: {  	_ =	swait.ge [sflag:s10], $0x500  }
0x2a: {  	[sflag:s10] =	ssyncset.done $0x0  }
0x2b: {  	[sflag:s10] =	ssyncadd.s32 $0xFFFFFB00  }
0x2c: {  	[spmem:s17], [sflag:s12] =	dma.local [hbm:s4], $0x500  }
0x2d: {  	_ =	swait.ge [sflag:s10], $0x500  }
0x2e: {  	[sflag:s10] =	ssyncset.done $0x0  }
0x2f: {  	[sflag:s10] =	ssyncadd.s32 $0xFFFFFB00  }
0x30: {  	[spmem:s18], [sflag:s12] =	dma.local [hbm:s4], $0x500  }
0x31: {  	_ =	swait.ge [sflag:s10], $0x500  }
0x32: {  	[sflag:s10] =	ssyncset.done $0x0  }
0x33: {  	[sflag:s10] =	ssyncadd.s32 $0xFFFFFB00  }
0x34: {  	[spmem:s19], [sflag:s12] =	dma.local [hbm:s4], $0x500  }
0x35: {  	_ =	swait.ge [sflag:s10], $0x500  }
0x36: {  	[sflag:s10] =	ssyncset.done $0x0  }
0x37: {  	[sflag:s10] =	ssyncadd.s32 $0xFFFFFB00  }
0x38: {  	[spmem:s20], [sflag:s12] =	dma.local [hbm:s4], $0x500  }
0x39: {  	_ =	swait.ge [sflag:s10], $0x500  }
0x3a: {  	[sflag:s10] =	ssyncset.done $0x0  }
0x3b: {  	[sflag:s10] =	ssyncadd.s32 $0xFFFFFB00  }
0x3c: {  	s25 =	simm.s32 $0x0;
	[bflag:$0x0] =	sbarrier.arrive $0xFFFF  }
0x3d: {  	[tilespmem:s22], [sflag:$0x1] =	stream.indirect.gather [hbm4b:s9+s21], $0x80, s25, s21, $0xb8;
	[tilespmem:$0x1E800] =	vst v63  }
0x3e: {  	_ =	swait.ge [sflag:s23], $0x2800  }
0x3f: {  	[sflag:s23] =	ssyncset.done $0x0  }
0x40: {  	s31 =	simm.s32 $0x4000;
	[sflag:s23] =	ssyncadd.s32 $0xFFFFD800  }
0x41: {  	[spmem:s1] =	stream.indirect.scatter.add.f32 [tilespmem:s22], [sflag:$0x2], $0x80, s31, s21, $0xb8;
	[tilespmem:$0x1E800] =	vst v63  }
0x42: {  	_ =	swait.ge [sflag:s10], $0x2800  }
0x43: {  	s26 =	simm.s32 $0x400;
	s25 =	simm.s32 $0x200;
	[sflag:s10] =	ssyncset.done $0x0  }
.LBB2_2:
0x44: {  	s28 =	sshra.s32 s25, $0x2  }
0x45: {  	[sflag:s10] =	ssyncadd.s32 $0xFFFFD800;
	s25 =	smov.u32 s26;
	s29 =	sadd.s32 $0x200, s26  }
0x46: {  	[tilespmem:s22], [sflag:$0x1] =	stream.indirect.gather [hbm4b:s9+s21], $0x80, s28, s21, $0xb8;
	[tilespmem:$0x1E800] =	vst v63  }
0x47: {  	p0 =	sne.s32 s26, $0xF800;
	_ =	swait.ge [sflag:s23], $0x2800  }
.Ltmp0:
0x48: {  	[sflag:s23] =	ssyncset.done $0x0;
	(pc) =	sbr.rel @p0 .LBB2_2-.Ltmp0, $4  }
0x49: {  	s26 =	sadd.s32 $0x4000, s28;
	[sflag:s23] =	ssyncadd.s32 $0xFFFFD800  }
0x4a: {  	[spmem:s1] =	stream.indirect.scatter.add.f32 [tilespmem:s22], [sflag:$0x2], $0x80, s26, s21, $0xb8;
	[tilespmem:$0x1E800] =	vst v63  }
0x4b: {  	_ =	swait.ge [sflag:s10], $0x2800  }
0x4c: {  	s26 =	smov.u32 s29;
	[sflag:s10] =	ssyncset.done $0x0  }
0x4d: {  	s25 =	sshra.s32 s25, $0x2;
	[sflag:s10] =	ssyncadd.s32 $0xFFFFD800  }
0x4e: {  	[tilespmem:s22], [sflag:$0x1] =	stream.indirect.gather [hbm4b:s9+s21], $0x80, s25, s21, $0xb8;
	[tilespmem:$0x1E800] =	vst v63  }
0x4f: {  	_ =	swait.ge [sflag:s23], $0x2800  }
0x50: {  	[sflag:s23] =	ssyncset.done $0x0  }
0x51: {  	s25 =	sadd.s32 $0x4000, s25;
	[sflag:s23] =	ssyncadd.s32 $0xFFFFD800  }
0x52: {  	[spmem:s1] =	stream.indirect.scatter.add.f32 [tilespmem:s22], [sflag:$0x2], $0x80, s25, s21, $0xb8;
	[tilespmem:$0x1E800] =	vst v63  }
0x53: {  	_ =	swait.ge [sflag:s10], $0x2800  }
0x54: {  	s24 =	sadd.s32 $0x1, s24;
	[sflag:s10] =	ssyncset.done $0x0  }
0x55: {  	p0 =	sne.s32 s24, s8;
	[sflag:s10] =	ssyncadd.s32 $0xFFFFD800  }
.Ltmp1:
0x56: {  	[bflag:$0x0] =	sbarrier.arrive $0xFFFF;
	(pc) =	sbr.rel @p0 .LBB2_1-.Ltmp1, $4  }
0x57: {  	[hbm:s7], [sflag:s12] =	dma.local [spmem:s13], $0x2800  }
0x58: {  	_ =	swait.ge [sflag:s10], $0x2800  }
0x59: {  	[sflag:s10] =	ssyncset.done $0x0  }
0x5a: {  	[sflag:s10] =	ssyncadd.s32 $0xFFFFD800  }
0x5b: {  	_ =	sfence.sel $0x180000  }
0x5c: {  	[bflag:$0x0] =	sbarrier.arrive $0xFFFF  }
0x5d: {  	p0 =	sne.s32 s2, $0x0;
	_ =	strace $0x90000047  }
0x5e: {  	s0 =	sadd.s32 @!p0 $0x100000, s0;
	[bflag:$0x2] =	sbarrier.arrive $0xFFFF  }
0x5f: {  	[sflag:s0] =	ssyncadd.tile.s32 @!p0 $0x1;
	_ =	shalt  }
.Lfunc_end2:
_tile_overlayer_lowered:
.L_overlay_start_2:
0x60: {  	(tag) =	ssettag $0x2  }
0x61: {  	s0 =	rddreg [dreg:$0x0];
	s2 =	stileid.u32  }
0x62: {  	s1 =	rddreg [dreg:$0x1];
	p0 =	sne.s32 s2, $0x0  }
0x63: {  	s3 =	rddreg [dreg:$0x2];
	[bflag:$0x3] =	sbarrier.arrive $0xFFFF;
	s2 =	simm.s32 @!p0 $0x1C02  }
0x64: {  	[timem:s3], [sflag:s2] =	dma.local @!p0 [hbm:s0], s1  }
0x65: {  	s0 =	simm.s32 @!p0 $0x2  }
0x66: {  	_ =	swait.ge @!p0 [sflag:s0], s1  }
0x67: {  	s1 =	ssub.s32 @!p0 $0x0, s1;
	[sflag:s0] =	ssyncset.done @!p0 $0x0  }
0x68: {  	[sflag:s0] =	ssyncadd.s32 @!p0 s1  }
0x69: {  	[bflag:$0x3] =	sbarrier.arrive $0xFFFF  }
0x6a: {  	_ =	shalt  }

// kernel: kernel.15.cloned.1.call-start
scs
__scs_entry_jumppad:
0x0: {  	(pc) =	sbr.rel $0x88, $3  }
0x1: {  	(tag) =	ssettag $0x0;
	lr =	simm.s32 $0x1  }
0x2: {  	[smem:$0x3F95] =	sst lr;
	_ =	strace $0xD0000000  }
0x3: {  	_ = 	snop  }
0x4: {  	_ = 	snop  }
0x5: {  	_ = 	snop  }
0x6: {  	_ = 	snop  }
0x7: {  	_ = 	snop  }
__scs_overlays_trampoline_lowered:
0x8: {  	[smem:$0x3FA4] =	sst s0  }
0x9: {  	[smem:$0x3FA5] =	sst s1  }
0xa: {  	[smem:$0x3FA6] =	sst s2  }
0xb: {  	[smem:$0x3FA7] =	sst s3  }
0xc: {  	[smem:$0x3FA8] =	sst s4  }
0xd: {  	[smem:$0x3FA9] =	sst s5  }
0xe: {  	[smem:$0x3FAA] =	sst s6  }
0xf: {  	[smem:$0x3FAB] =	sst s7  }
0x10: {  	[smem:$0x3FAC] =	sst s8  }
0x11: {  	[smem:$0x3FAD] =	sst s9;
	s0 =	simm.s32 @!p0 $0x0  }
0x12: {  	s1 =	sld [smem:$0x3F93];
	s0 =	simm.s32 @p0 $0x1  }
0x13: {  	[smem:$0x3FAE] =	sst s0;
	s0 =	simm.s32 @!p1 $0x0  }
0x14: {  	s2 =	sld [smem:$0x3F92];
	s0 =	simm.s32 @p1 $0x1  }
0x15: {  	[smem:$0x3FAF] =	sst s0;
	s0 =	simm.s32 @!p2 $0x0  }
0x16: {  	s3 =	sld [smem:$0x3FDB];
	s0 =	simm.s32 @p2 $0x1  }
0x17: {  	s4 =	simm.s32 $0x1BF5;
	[smem:$0x3FB1] =	sst s0  }
0x18: {  	s0 =	sld [smem:$0x3F94];
	_ =	swait.ge [sflag:s4], $0x0  }
0x19: {  	s7 =	sld [smem:$0x3F95]  }
0x1a: {  	s8 =	sadd.s32 $0xFFFFE003, lr  }
0x1b: {  	s9 =	sadd.s32 $0xFFFFFEF7, lr;
	s5 =	simm.s32 $0xFFFFFFFF;
	p2 =	slt.u32 s8, $0xFFFFF086  }
0x1c: {  	p1 =	slt.u32 s9, $0xF7A;
	s5 =	simm.s32 @!p2 $0x0  }
0x1d: {  	s5 =	simm.s32 @p1 $0x1;
	p0 =	seq.s32 s7, s2  }
0x1e: {  	s7 =	smul.u32 @!p0 $0xF7A, s2;
	p2 =	seq.s32 @!p0 s5, $0x0  }
0x1f: {  	s9 =	smul.u32 $0xF7A, s1;
	s8 =	simm.s32 @!p0 $0x1BF5;
	p2 =	por !p2, p0  }
0x20: {  	[sflag:s8] =	ssyncset.s32 @!p0 $0xFFFFF086;
	s6 =	sadd.s32 @!p0 s3, s7;
	s7 =	simm.s32 @!p0 $0x108  }
0x21: {  	s3 =	sadd.s32 s3, s9;
	s6 =	sadd.s32 @!p0 $0x88, s6;
	s7 =	simm.s32 @p2 $0x1082  }
0x22: {  	[simem:s7], [sflag:s8] =	dma.local @!p0 [hbm:s6], $0xF7A  }
0x23: {  	s9 =	sor.u32 $0xD0000000, s2;
	s6 =	simm.s32 $0x108;
	_ =	swait.ge @!p0 [sflag:s8], $0x0  }
0x24: {  	s3 =	sadd.s32 $0x88, s3;
	s6 =	simm.s32 @!p1 $0x1082;
	[sflag:s4] =	ssyncset.s32 $0xFFFFF086  }
0x25: {  	[simem:s6], [sflag:s4] =	dma.local [hbm:s3], $0xF7A  }
0x26: {  	[smem:$0x3F95] =	sst s1;
	(tag) =	ssettag s2;
	_ =	strace s9  }
0x27: {  	s1 =	sld [smem:$0x3FA5]  }
0x28: {  	s2 =	sld [smem:$0x3FA6]  }
0x29: {  	s4 =	sld [smem:$0x3FA8]  }
0x2a: {  	p0 =	seq.s32 s5, $0x0;
	s5 =	sld [smem:$0x3FA9]  }
0x2b: {  	s6 =	sld [smem:$0x3FAA]  }
0x2c: {  	s7 =	sld [smem:$0x3FAB]  }
0x2d: {  	s3 =	simm.s32 $0x108;
	s8 =	sld [smem:$0x3FAC]  }
0x2e: {  	s3 =	simm.s32 @!p0 $0x1082;
	s9 =	sld [smem:$0x3FAD]  }
0x2f: {  	lr =	sadd.s32 s0, s3;
	s0 =	sld [smem:$0x3FA4]  }
0x30: {  	s3 =	sld [smem:$0x3FA7]  }
0x31: {  	[smem:$0x3FB0] =	sst s10  }
0x32: {  	s10 =	sld [smem:$0x3FAE];
	_ =	sdelay $0x3  }
0x33: {  	p0 =	seq.s32 s10, $0x1;
	s10 =	sld [smem:$0x3FB0];
	_ =	sdelay $0x3  }
0x34: {  	[smem:$0x3FB0] =	sst s10  }
0x35: {  	s10 =	sld [smem:$0x3FAF];
	_ =	sdelay $0x3  }
0x36: {  	p1 =	seq.s32 s10, $0x1;
	s10 =	sld [smem:$0x3FB0];
	_ =	sdelay $0x3  }
0x37: {  	[smem:$0x3FB0] =	sst s10  }
0x38: {  	s10 =	sld [smem:$0x3FB1]  }
0x39: {  	_ = 	snop;
	(pc) =	sbr.ind lr, $3  }
0x3a: {  	_ = 	snop  }
0x3b: {  	_ = 	snop  }
0x3c: {  	p2 =	seq.s32 s10, $0x1;
	s10 =	sld [smem:$0x3FB0]  }
0x3d: {  	_ =	shalt  }
0x3e: {  	_ =	shalt  }
0x3f: {  	_ =	shalt  }
0x40: {  	_ =	shalt  }
0x41: {  	_ =	shalt  }
0x42: {  	_ =	shalt  }
0x43: {  	_ =	shalt  }
0x44: {  	_ =	shalt  }
0x45: {  	_ =	shalt  }
0x46: {  	_ =	shalt  }
0x47: {  	_ =	shalt  }
0x48: {  	_ =	shalt  }
0x49: {  	_ =	shalt  }
0x4a: {  	_ =	shalt  }
0x4b: {  	_ =	shalt  }
0x4c: {  	_ =	shalt  }
0x4d: {  	_ =	shalt  }
0x4e: {  	_ =	shalt  }
0x4f: {  	_ =	shalt  }
0x50: {  	_ =	shalt  }
0x51: {  	_ =	shalt  }
0x52: {  	_ =	shalt  }
0x53: {  	_ =	shalt  }
0x54: {  	_ =	shalt  }
0x55: {  	_ =	shalt  }
0x56: {  	_ =	shalt  }
0x57: {  	_ =	shalt  }
0x58: {  	_ =	shalt  }
0x59: {  	_ =	shalt  }
0x5a: {  	_ =	shalt  }
0x5b: {  	_ =	shalt  }
0x5c: {  	_ =	shalt  }
0x5d: {  	_ =	shalt  }
0x5e: {  	_ =	shalt  }
0x5f: {  	_ =	shalt  }
0x60: {  	_ =	shalt  }
0x61: {  	_ =	shalt  }
0x62: {  	_ =	shalt  }
0x63: {  	_ =	shalt  }
0x64: {  	_ =	shalt  }
0x65: {  	_ =	shalt  }
0x66: {  	_ =	shalt  }
0x67: {  	_ =	shalt  }
0x68: {  	_ =	shalt  }
0x69: {  	_ =	shalt  }
0x6a: {  	_ =	shalt  }
0x6b: {  	_ =	shalt  }
0x6c: {  	_ =	shalt  }
0x6d: {  	_ =	shalt  }
0x6e: {  	_ =	shalt  }
0x6f: {  	_ =	shalt  }
0x70: {  	_ =	shalt  }
0x71: {  	_ =	shalt  }
0x72: {  	_ =	shalt  }
0x73: {  	_ =	shalt  }
0x74: {  	_ =	shalt  }
0x75: {  	_ =	shalt  }
0x76: {  	_ =	shalt  }
0x77: {  	_ =	shalt  }
0x78: {  	_ =	shalt  }
0x79: {  	_ =	shalt  }
0x7a: {  	_ =	shalt  }
0x7b: {  	_ =	shalt  }
0x7c: {  	_ =	shalt  }
0x7d: {  	_ =	shalt  }
0x7e: {  	_ =	shalt  }
0x7f: {  	_ =	shalt  }
0x80: {  	_ =	shalt  }
0x81: {  	_ =	shalt  }
0x82: {  	_ =	shalt  }
0x83: {  	_ =	shalt  }
0x84: {  	_ =	shalt  }
0x85: {  	_ =	shalt  }
0x86: {  	_ =	shalt  }
0x87: {  	_ =	shalt  }
.Lfunc_end0:
.L_simem_size_0:
called_computation.2_lowered:
.L_overlay_start_0:
0x88: {  	s2 =	sld [smem:$0x3FD9]  }
0x89: {  	s3 =	sld [smem:$0x3FFE];
	_ =	sdelay $0x1  }
0x8a: {  	s1 =	srdreg.scid  }
0x8b: {  	s0 =	sand.u32 $0x1, s1  }
0x8c: {  	s16 =	sshll.u32 s0, $0xA;
	s2 =	sadd.s32 s3, s2  }
0x8d: {  	s2 =	sadd.s32 s2, s16  }
0x8e: {  	[smem:$0x3FBC] =	sst s2  }
0x8f: {  	_ = 	snop  }
0x90: {  	(tm) =	ssettm $0x1  }
0x91: {  	s17 =	sld [smem:$0x3FFB];
	_ =	sdelay $0x3  }
0x92: {  	_ =	strace s17  }
0x93: {  	s2 =	sld [smem:$0x3FFC];
	_ =	sdelay $0x3  }
0x94: {  	_ =	strace s2  }
0x95: {  	s2 =	sld [smem:$0x3FFD];
	_ =	sdelay $0x3  }
0x96: {  	_ =	strace s2  }
0x97: {  	_ =	strace $0x8FFFFFFF  }
0x98: {  	s18 =	sld [smem:$0x3FDB];
	_ =	sdelay $0x1  }
0x99: {  	s19 =	simm.s32 $_scs_section_size  }
0x9a: {  	s4 =	simm.s32 $_size__tile_overlayer_lowered;
	s5 =	simm.s32 $_tile_overlayer_lowered  }
0x9b: {  	s22 =	simm.s32 $0x1BFF;
	s21 =	sshll.u32 s5, $0x1;
	s2 =	sadd.s32 s19, s18  }
0x9c: {  	s6 =	simm.s32 $0x0;
	s20 =	sshll.u32 s4, $0x1;
	s4 =	sadd.s32 s21, s2  }
0x9d: {  	[timem:s6], [sflag:s22] =	dma.local [hbm:s4], s20  }
0x9e: {  	_ =	swait.ge [sflag:s22], s20  }
0x9f: {  	s3 =	ssub.s32 $0x0, s20;
	[sflag:s22] =	ssyncset.done $0x0  }
0xa0: {  	[sflag:s22] =	ssyncadd.s32 s3;
	_ =	sdelay $0x1  }
0xa1: {  	s23 =	simm.s32 $0x1B8B  }
0xa2: {  	_ =	swait.ge [sflag:s23], $0x1  }
0xa3: {  	[sflag:s23] =	ssyncset.done $0x0  }
0xa4: {  	s25 =	simm.s32 $0x1B8E;
	s24 =	sld [smem:$0x3FFE];
	[sflag:s23] =	ssyncadd.s32 $0xFFFFFFFF  }
0xa5: {  	s26 =	simm.s32 $execute0_lowered;
	[smem:$0x3FD2] =	sst s25  }
0xa6: {  	s4 =	sshll.u32 s26, $0x1;
	_ =	strace $0x8000004C;
	[dreg:$0x1] =	wrdreg $0xFFFFFFFF  }
0xa7: {  	s28 =	simm.s32 $_size_execute0_lowered;
	s2 =	sadd.s32 s2, s4;
	[dreg:$0x0] =	wrdreg $0x0  }
0xa8: {  	s4 =	sshll.u32 s28, $0x1;
	[dreg:$0x2] =	wrdreg s2  }
0xa9: {  	[dreg:$0x3] =	wrdreg s4  }
0xaa: {  	[dreg:$0x4] =	wrdreg $0xC0  }
0xab: {  	_ =	task [dreg:s6], $0x5FFFF  }
0xac: {  	[dreg:$0x1] =	wrdreg $0xFFFFFFFF  }
0xad: {  	[dreg:$0x0] =	wrdreg $0x60  }
0xae: {  	[dreg:$0x2] =	wrdreg s24  }
0xaf: {  	[dreg:$0x3] =	wrdreg $0xA8000  }
0xb0: {  	[dreg:$0x4] =	wrdreg $0x9  }
0xb1: {  	_ =	task.clear_ibuf [dreg:s6], $0x5FFFF;
	_ =	strace $0x9000004C  }
0xb2: {  	s29 =	simm.s32 $0x9;
	_ =	strace $0x8000004E  }
0xb3: {  	_ =	swait.ge [sflag:s29], $0x1  }
0xb4: {  	[sflag:s29] =	ssyncadd.s32 $0xFFFFFFFF  }
0xb5: {  	_ =	strace $0x9000004E  }
0xb6: {  	_ =	sfence  }
0xb7: {  	s30 =	sld [smem:$0x0];
	_ =	sdelay $0x2  }
0xb8: {  	s31 =	sshll.u32 s1, $0xD;
	s1 =	sshrl.u32 s1, $0x2  }
0xb9: {  	s3 =	sand.u32 $0x4000, s31;
	s1 =	sadd.s32 s1, s30  }
0xba: {  	s0 =	sor.u32 s3, s0;
	s1 =	sshll.u32 s1, $0x11  }
0xbb: {  	s0 =	sor.u32 s1, s0  }
0xbc: {  	s0 =	sadd.s32 $0x8F2B, s0  }
0xbd: {  	[sflag:s0] =	ssyncadd.remote.s32 $0x1  }
0xbe: {  	_ =	sfence.sel $0xFFFF  }
0xbf: {  	[dreg:$0x0] =	wrdreg $0xFFFFFFFF;
	(pc) =	sbr.abs _section_cstart, $3  }
0xc0: {  	[dreg:$0x1] =	wrdreg $0xFFFFFFFF  }
0xc1: {  	_ =	task.clear_ibuf [dreg:s6], $0x2FFFF;
	_ =	strace $0x9FFFFFFF  }
0xc2: {  	(tm) =	ssettm $0x7FFFFFFF  }
0xc3: {  	_ =	shalt  }
tec
execute0_lowered:
.L_overlay_start_1:
0x0: {  	(tag) =	ssettag $0x1  }
0x1: {  	s0 =	rddreg [dreg:$0x0]  }
0x2: {  	s1 =	rddreg [dreg:$0x1];
	s3 =	simm.s32 $0x0;
	s2 =	srdreg.scid  }
0x3: {  	s20 =	stileid.u32;
	s23 =	simm.s32 $0x50;
	s24 =	simm.s32 $0x8000  }
0x4: {  	[smem:$0x7FF] =	sst s3;
	s2 =	sand.u32 $0x1, s2;
	s4 =	sadd.s32 $0x124800, s0  }
0x5: {  	s5 =	sadd.s32 $0xFD600, s0;
	s6 =	smul.u32 $0x14000, s20;
	s18 =	sadd.s32 $0x39A00, s0  }
0x6: {  	s19 =	sadd.s32 $0x12800, s0;
	s7 =	sshll.u32 s20, $0xB;
	s26 =	smul.u32 $0x50000, s20  }
0x7: {  	s31 =	sshll.u32 s20, $0x6;
	_ =	strace $0x8000004D;
	s25 =	smul.u32 $0x280000, s2  }
0x8: {  	s8 =	sadd.s32 s7, s0;
	s9 =	ssub.s32 $0x2, s2;
	p0 =	seq.s32 s2, $0x1  }
0x9: {  	s20 =	sor.u32 $0x1C02, s31;
	s28 =	sshrl.u32 s9, $0x1;
	s10 =	sshrl.u32 s26, $0x2  }
0xa: {  	s29 =	sadd.s32 $0xA800, s8;
	s30 =	sadd.s32 $0x2800, s8;
	s4 =	smov.u32 @p0 s18  }
0xb: {  	s5 =	smov.u32 @p0 s19;
	s18 =	simm.s32 $0x2;
	s26 =	simm.s32 $0x0  }
0xc: {  	s3 =	sadd.s32 s6, s25;
	s6 =	sadd.s32 $0x60C00, s0;
	[dreg:$0x3] =	wrdreg s29  }
0xd: {  	s21 =	sadd.s32 s10, s1;
	[dreg:$0x4] =	wrdreg s30;
	s25 =	simm.s32 $0x1  }
0xe: {  	s3 =	sshrl.u32 s3, $0x3;
	s22 =	sadd.s32 $0x2800, s21;
	s10 =	sadd.s32 $0x7800, s21  }
0xf: {  	s11 =	sadd.s32 $0xA000, s21;
	s12 =	sadd.s32 $0xC800, s21;
	s13 =	sadd.s32 $0xF000, s21  }
0x10: {  	s14 =	sadd.s32 $0x11800, s21;
	s0 =	sadd.s32 s3, s0;
	s3 =	ssub.s32 s9, s28  }
0x11: {  	s9 =	sadd.s32 $0x5000, s21;
	s21 =	sshrl.u32 s21, $0x3;
	s22 =	sshrl.u32 s22, $0x3  }
0x12: {  	s15 =	sadd.s32 $0x14BA00, s0;
	s16 =	sadd.s32 $0x173A00, s0;
	s17 =	smax.u32 s3, $0x1  }
.LBB2_1:
0x13: {  	s0 =	simm.s32 $0x0;
	s2 =	rddreg [dreg:$0x3]  }
0x14: {  	[tilespmem:s0], [sflag:$0x2] =	stream.linear.gather [hbm4b:s2+s0], $0x3E80, $0x38;
	[tilespmem:$0x1E800] =	vst v63  }
0x15: {  	_ =	swait.ge [sflag:s18], $0x3E80  }
0x16: {  	[sflag:s18] =	ssyncset.done $0x0  }
0x17: {  	s3 =	simm.s32 $0x4000;
	s7 =	rddreg [dreg:$0x4];
	[sflag:s18] =	ssyncadd.s32 $0xFFFFC180  }
0x18: {  	[tilespmem:s3], [sflag:$0x2] =	stream.linear.gather [hbm4b:s7+s0], $0x3E80, $0x38;
	[tilespmem:$0x1E800] =	vst v63  }
0x19: {  	_ =	swait.ge [sflag:s18], $0x3E80  }
0x1a: {  	[sflag:s18] =	ssyncset.done $0x0  }
0x1b: {  	[sflag:s18] =	ssyncadd.s32 $0xFFFFC180  }
0x1c: {  	[spmem:s21], [sflag:s20] =	dma.local [hbm:s6], $0x500  }
0x1d: {  	_ =	swait.ge [sflag:s18], $0x500  }
0x1e: {  	[sflag:s18] =	ssyncset.done $0x0  }
0x1f: {  	[sflag:s18] =	ssyncadd.s32 $0xFFFFFB00  }
0x20: {  	[spmem:s22], [sflag:s20] =	dma.local [hbm:s6], $0x500  }
0x21: {  	_ =	swait.ge [sflag:s18], $0x500  }
0x22: {  	[sflag:s18] =	ssyncset.done $0x0  }
0x23: {  	s28 =	sshrl.u32 s9, $0x3;
	[sflag:s18] =	ssyncadd.s32 $0xFFFFFB00  }
0x24: {  	[spmem:s28], [sflag:s20] =	dma.local [hbm:s6], $0x500  }
0x25: {  	_ =	swait.ge [sflag:s18], $0x500  }
0x26: {  	[sflag:s18] =	ssyncset.done $0x0  }
0x27: {  	s29 =	sshrl.u32 s10, $0x3;
	[sflag:s18] =	ssyncadd.s32 $0xFFFFFB00  }
0x28: {  	[spmem:s29], [sflag:s20] =	dma.local [hbm:s6], $0x500  }
0x29: {  	_ =	swait.ge [sflag:s18], $0x500  }
0x2a: {  	[sflag:s18] =	ssyncset.done $0x0  }
0x2b: {  	s30 =	sshrl.u32 s11, $0x3;
	[sflag:s18] =	ssyncadd.s32 $0xFFFFFB00  }
0x2c: {  	[spmem:s30], [sflag:s20] =	dma.local [hbm:s6], $0x500  }
0x2d: {  	_ =	swait.ge [sflag:s18], $0x500  }
0x2e: {  	[sflag:s18] =	ssyncset.done $0x0  }
0x2f: {  	s31 =	sshrl.u32 s12, $0x3;
	[sflag:s18] =	ssyncadd.s32 $0xFFFFFB00  }
0x30: {  	[spmem:s31], [sflag:s20] =	dma.local [hbm:s6], $0x500  }
0x31: {  	_ =	swait.ge [sflag:s18], $0x500  }
0x32: {  	[sflag:s18] =	ssyncset.done $0x0  }
0x33: {  	s0 =	sshrl.u32 s13, $0x3;
	[sflag:s18] =	ssyncadd.s32 $0xFFFFFB00  }
0x34: {  	[spmem:s0], [sflag:s20] =	dma.local [hbm:s6], $0x500  }
0x35: {  	_ =	swait.ge [sflag:s18], $0x500  }
0x36: {  	[sflag:s18] =	ssyncset.done $0x0  }
0x37: {  	s3 =	sshrl.u32 s14, $0x3;
	[sflag:s18] =	ssyncadd.s32 $0xFFFFFB00  }
0x38: {  	[spmem:s3], [sflag:s20] =	dma.local [hbm:s6], $0x500  }
0x39: {  	_ =	swait.ge [sflag:s18], $0x500  }
0x3a: {  	[sflag:s18] =	ssyncset.done $0x0  }
0x3b: {  	[sflag:s18] =	ssyncadd.s32 $0xFFFFFB00  }
0x3c: {  	s8 =	simm.s32 $0x0;
	[bflag:$0x0] =	sbarrier.arrive $0xFFFF  }
0x3d: {  	[tilespmem:s24], [sflag:$0x1] =	stream.indirect.gather [hbm4b:s4+s23], $0x80, s8, s23, $0xb8;
	[tilespmem:$0x1E800] =	vst v63  }
0x3e: {  	_ =	swait.ge [sflag:s25], $0x2800  }
0x3f: {  	[sflag:s25] =	ssyncset.done $0x0  }
0x40: {  	s19 =	simm.s32 $0x4000;
	[sflag:s25] =	ssyncadd.s32 $0xFFFFD800  }
0x41: {  	[spmem:s1] =	stream.indirect.scatter.add.f32 [tilespmem:s24], [sflag:$0x2], $0x80, s19, s23, $0xb8;
	[tilespmem:$0x1E800] =	vst v63  }
0x42: {  	_ =	swait.ge [sflag:s18], $0x2800  }
0x43: {  	s2 =	simm.s32 $0x400;
	s19 =	simm.s32 $0x200;
	[sflag:s18] =	ssyncset.done $0x0  }
.LBB2_2:
0x44: {  	s7 =	sshra.s32 s19, $0x2  }
0x45: {  	[sflag:s18] =	ssyncadd.s32 $0xFFFFD800;
	s19 =	smov.u32 s2;
	s8 =	sadd.s32 $0x200, s2  }
0x46: {  	[tilespmem:s24], [sflag:$0x1] =	stream.indirect.gather [hbm4b:s4+s23], $0x80, s7, s23, $0xb8;
	[tilespmem:$0x1E800] =	vst v63  }
0x47: {  	p0 =	sne.s32 s2, $0xF800;
	_ =	swait.ge [sflag:s25], $0x2800  }
.Ltmp0:
0x48: {  	[sflag:s25] =	ssyncset.done $0x0;
	(pc) =	sbr.rel @p0 .LBB2_2-.Ltmp0, $4  }
0x49: {  	s2 =	sadd.s32 $0x4000, s7;
	[sflag:s25] =	ssyncadd.s32 $0xFFFFD800  }
0x4a: {  	[spmem:s1] =	stream.indirect.scatter.add.f32 [tilespmem:s24], [sflag:$0x2], $0x80, s2, s23, $0xb8;
	[tilespmem:$0x1E800] =	vst v63  }
0x4b: {  	_ =	swait.ge [sflag:s18], $0x2800  }
0x4c: {  	s2 =	smov.u32 s8;
	[sflag:s18] =	ssyncset.done $0x0  }
0x4d: {  	s2 =	sshra.s32 s19, $0x2;
	[sflag:s18] =	ssyncadd.s32 $0xFFFFD800  }
0x4e: {  	[tilespmem:s24], [sflag:$0x1] =	stream.indirect.gather [hbm4b:s4+s23], $0x80, s2, s23, $0xb8;
	[tilespmem:$0x1E800] =	vst v63  }
0x4f: {  	_ =	swait.ge [sflag:s25], $0x2800  }
0x50: {  	[sflag:s25] =	ssyncset.done $0x0  }
0x51: {  	s2 =	sadd.s32 $0x4000, s2;
	[sflag:s25] =	ssyncadd.s32 $0xFFFFD800  }
0x52: {  	[spmem:s1] =	stream.indirect.scatter.add.f32 [tilespmem:s24], [sflag:$0x2], $0x80, s2, s23, $0xb8;
	[tilespmem:$0x1E800] =	vst v63  }
0x53: {  	_ =	swait.ge [sflag:s18], $0x2800  }
0x54: {  	[sflag:s18] =	ssyncset.done $0x0  }
0x55: {  	[sflag:s18] =	ssyncadd.s32 $0xFFFFD800  }
0x56: {  	[bflag:$0x0] =	sbarrier.arrive $0xFFFF  }
0x57: {  	[hbm:s15], [sflag:s20] =	dma.local [spmem:s21], $0x2800  }
0x58: {  	_ =	swait.ge [sflag:s18], $0x2800  }
0x59: {  	[sflag:s18] =	ssyncset.done $0x0  }
0x5a: {  	[sflag:s18] =	ssyncadd.s32 $0xFFFFD800  }
0x5b: {  	[spmem:s21], [sflag:s20] =	dma.local [hbm:s6], $0x500  }
0x5c: {  	_ =	swait.ge [sflag:s18], $0x500  }
0x5d: {  	[sflag:s18] =	ssyncset.done $0x0  }
0x5e: {  	[sflag:s18] =	ssyncadd.s32 $0xFFFFFB00  }
0x5f: {  	[spmem:s22], [sflag:s20] =	dma.local [hbm:s6], $0x500  }
0x60: {  	_ =	swait.ge [sflag:s18], $0x500  }
0x61: {  	[sflag:s18] =	ssyncset.done $0x0  }
0x62: {  	[sflag:s18] =	ssyncadd.s32 $0xFFFFFB00  }
0x63: {  	[spmem:s28], [sflag:s20] =	dma.local [hbm:s6], $0x500  }
0x64: {  	_ =	swait.ge [sflag:s18], $0x500  }
0x65: {  	[sflag:s18] =	ssyncset.done $0x0  }
0x66: {  	[sflag:s18] =	ssyncadd.s32 $0xFFFFFB00  }
0x67: {  	[spmem:s29], [sflag:s20] =	dma.local [hbm:s6], $0x500  }
0x68: {  	_ =	swait.ge [sflag:s18], $0x500  }
0x69: {  	[sflag:s18] =	ssyncset.done $0x0  }
0x6a: {  	[sflag:s18] =	ssyncadd.s32 $0xFFFFFB00  }
0x6b: {  	[spmem:s30], [sflag:s20] =	dma.local [hbm:s6], $0x500  }
0x6c: {  	_ =	swait.ge [sflag:s18], $0x500  }
0x6d: {  	[sflag:s18] =	ssyncset.done $0x0  }
0x6e: {  	[sflag:s18] =	ssyncadd.s32 $0xFFFFFB00  }
0x6f: {  	[spmem:s31], [sflag:s20] =	dma.local [hbm:s6], $0x500  }
0x70: {  	_ =	swait.ge [sflag:s18], $0x500  }
0x71: {  	[sflag:s18] =	ssyncset.done $0x0  }
0x72: {  	[sflag:s18] =	ssyncadd.s32 $0xFFFFFB00  }
0x73: {  	[spmem:s0], [sflag:s20] =	dma.local [hbm:s6], $0x500  }
0x74: {  	_ =	swait.ge [sflag:s18], $0x500  }
0x75: {  	[sflag:s18] =	ssyncset.done $0x0  }
0x76: {  	[sflag:s18] =	ssyncadd.s32 $0xFFFFFB00  }
0x77: {  	[spmem:s3], [sflag:s20] =	dma.local [hbm:s6], $0x500  }
0x78: {  	_ =	swait.ge [sflag:s18], $0x500  }
0x79: {  	[sflag:s18] =	ssyncset.done $0x0  }
0x7a: {  	[sflag:s18] =	ssyncadd.s32 $0xFFFFFB00  }
0x7b: {  	s30 =	simm.s32 $0x0;
	[bflag:$0x0] =	sbarrier.arrive $0xFFFF  }
0x7c: {  	[tilespmem:s24], [sflag:$0x1] =	stream.indirect.gather [hbm4b:s5+s23], $0x80, s30, s23, $0xb8;
	[tilespmem:$0x1E800] =	vst v63  }
0x7d: {  	_ =	swait.ge [sflag:s25], $0x2800  }
0x7e: {  	[sflag:s25] =	ssyncset.done $0x0  }
0x7f: {  	s31 =	simm.s32 $0x4000;
	[sflag:s25] =	ssyncadd.s32 $0xFFFFD800  }
0x80: {  	[spmem:s1] =	stream.indirect.scatter.add.f32 [tilespmem:s24], [sflag:$0x2], $0x80, s31, s23, $0xb8;
	[tilespmem:$0x1E800] =	vst v63  }
0x81: {  	_ =	swait.ge [sflag:s18], $0x2800  }
0x82: {  	s2 =	simm.s32 $0x400;
	s0 =	simm.s32 $0x200;
	[sflag:s18] =	ssyncset.done $0x0  }
.LBB2_4:
0x83: {  	s3 =	sshra.s32 s0, $0x2  }
0x84: {  	[sflag:s18] =	ssyncadd.s32 $0xFFFFD800;
	s0 =	smov.u32 s2;
	s7 =	sadd.s32 $0x200, s2  }
0x85: {  	[tilespmem:s24], [sflag:$0x1] =	stream.indirect.gather [hbm4b:s5+s23], $0x80, s3, s23, $0xb8;
	[tilespmem:$0x1E800] =	vst v63  }
0x86: {  	p0 =	sne.s32 s2, $0xF800;
	_ =	swait.ge [sflag:s25], $0x2800  }
.Ltmp1:
0x87: {  	[sflag:s25] =	ssyncset.done $0x0;
	(pc) =	sbr.rel @p0 .LBB2_4-.Ltmp1, $4  }
0x88: {  	s2 =	sadd.s32 $0x4000, s3;
	[sflag:s25] =	ssyncadd.s32 $0xFFFFD800  }
0x89: {  	[spmem:s1] =	stream.indirect.scatter.add.f32 [tilespmem:s24], [sflag:$0x2], $0x80, s2, s23, $0xb8;
	[tilespmem:$0x1E800] =	vst v63  }
0x8a: {  	_ =	swait.ge [sflag:s18], $0x2800  }
0x8b: {  	s2 =	smov.u32 s7;
	[sflag:s18] =	ssyncset.done $0x0  }
0x8c: {  	s0 =	sshra.s32 s0, $0x2;
	[sflag:s18] =	ssyncadd.s32 $0xFFFFD800  }
0x8d: {  	[tilespmem:s24], [sflag:$0x1] =	stream.indirect.gather [hbm4b:s5+s23], $0x80, s0, s23, $0xb8;
	[tilespmem:$0x1E800] =	vst v63  }
0x8e: {  	_ =	swait.ge [sflag:s25], $0x2800  }
0x8f: {  	[sflag:s25] =	ssyncset.done $0x0  }
0x90: {  	s0 =	sadd.s32 $0x4000, s0;
	[sflag:s25] =	ssyncadd.s32 $0xFFFFD800  }
0x91: {  	[spmem:s1] =	stream.indirect.scatter.add.f32 [tilespmem:s24], [sflag:$0x2], $0x80, s0, s23, $0xb8;
	[tilespmem:$0x1E800] =	vst v63  }
0x92: {  	_ =	swait.ge [sflag:s18], $0x2800  }
0x93: {  	s26 =	sadd.s32 $0x1, s26;
	[sflag:s18] =	ssyncset.done $0x0  }
0x94: {  	p0 =	sne.s32 s26, s17;
	[sflag:s18] =	ssyncadd.s32 $0xFFFFD800  }
.Ltmp2:
0x95: {  	[bflag:$0x0] =	sbarrier.arrive $0xFFFF;
	(pc) =	sbr.rel @p0 .LBB2_1-.Ltmp2, $4  }
0x96: {  	[hbm:s16], [sflag:s20] =	dma.local [spmem:s21], $0x2800  }
0x97: {  	_ =	swait.ge [sflag:s18], $0x2800  }
0x98: {  	[sflag:s18] =	ssyncset.done $0x0  }
0x99: {  	[sflag:s18] =	ssyncadd.s32 $0xFFFFD800  }
0x9a: {  	_ =	sfence.sel $0x180000  }
0x9b: {  	[bflag:$0x0] =	sbarrier.arrive $0xFFFF  }
0x9c: {  	_ =	strace $0x9000004D  }
0x9d: {  	s0 =	stileid.u32;
	[bflag:$0x2] =	sbarrier.arrive $0xFFFF  }
0x9e: {  	p0 =	sne.s32 s0, $0x0;
	s0 =	rddreg [dreg:$0x2]  }
0x9f: {  	s0 =	sadd.s32 @!p0 $0x100000, s0  }
0xa0: {  	[sflag:s0] =	ssyncadd.tile.s32 @!p0 $0x1;
	_ =	shalt  }
.Lfunc_end2:
_tile_overlayer_lowered:
.L_overlay_start_2:
0xa1: {  	(tag) =	ssettag $0x2  }
0xa2: {  	s0 =	rddreg [dreg:$0x0];
	s2 =	stileid.u32  }
0xa3: {  	s1 =	rddreg [dreg:$0x1];
	p0 =	sne.s32 s2, $0x0  }
0xa4: {  	s3 =	rddreg [dreg:$0x2];
	[bflag:$0x3] =	sbarrier.arrive $0xFFFF;
	s2 =	simm.s32 @!p0 $0x1C02  }
0xa5: {  	[timem:s3], [sflag:s2] =	dma.local @!p0 [hbm:s0], s1  }
0xa6: {  	s0 =	simm.s32 @!p0 $0x2  }
0xa7: {  	_ =	swait.ge @!p0 [sflag:s0], s1  }
0xa8: {  	s1 =	ssub.s32 @!p0 $0x0, s1;
	[sflag:s0] =	ssyncset.done @!p0 $0x0  }
0xa9: {  	[sflag:s0] =	ssyncadd.s32 @!p0 s1  }
0xaa: {  	[bflag:$0x3] =	sbarrier.arrive $0xFFFF  }
0xab: {  	_ =	shalt  }

// kernel: kernel.18.cloned.1.call-start
scs
__scs_entry_jumppad:
0x0: {  	(pc) =	sbr.rel $0x88, $3  }
0x1: {  	(tag) =	ssettag $0x0;
	lr =	simm.s32 $0x1  }
0x2: {  	[smem:$0x3F95] =	sst lr;
	_ =	strace $0xD0000000  }
0x3: {  	_ = 	snop  }
0x4: {  	_ = 	snop  }
0x5: {  	_ = 	snop  }
0x6: {  	_ = 	snop  }
0x7: {  	_ = 	snop  }
__scs_overlays_trampoline_lowered:
0x8: {  	[smem:$0x3FA4] =	sst s0  }
0x9: {  	[smem:$0x3FA5] =	sst s1  }
0xa: {  	[smem:$0x3FA6] =	sst s2  }
0xb: {  	[smem:$0x3FA7] =	sst s3  }
0xc: {  	[smem:$0x3FA8] =	sst s4  }
0xd: {  	[smem:$0x3FA9] =	sst s5  }
0xe: {  	[smem:$0x3FAA] =	sst s6  }
0xf: {  	[smem:$0x3FAB] =	sst s7  }
0x10: {  	[smem:$0x3FAC] =	sst s8  }
0x11: {  	[smem:$0x3FAD] =	sst s9;
	s0 =	simm.s32 @!p0 $0x0  }
0x12: {  	s1 =	sld [smem:$0x3F93];
	s0 =	simm.s32 @p0 $0x1  }
0x13: {  	[smem:$0x3FAE] =	sst s0;
	s0 =	simm.s32 @!p1 $0x0  }
0x14: {  	s2 =	sld [smem:$0x3F92];
	s0 =	simm.s32 @p1 $0x1  }
0x15: {  	[smem:$0x3FAF] =	sst s0;
	s0 =	simm.s32 @!p2 $0x0  }
0x16: {  	s3 =	sld [smem:$0x3FDB];
	s0 =	simm.s32 @p2 $0x1  }
0x17: {  	s4 =	simm.s32 $0x1BF5;
	[smem:$0x3FB1] =	sst s0  }
0x18: {  	s0 =	sld [smem:$0x3F94];
	_ =	swait.ge [sflag:s4], $0x0  }
0x19: {  	s7 =	sld [smem:$0x3F95]  }
0x1a: {  	s8 =	sadd.s32 $0xFFFFE003, lr  }
0x1b: {  	s9 =	sadd.s32 $0xFFFFFEF7, lr;
	s5 =	simm.s32 $0xFFFFFFFF;
	p2 =	slt.u32 s8, $0xFFFFF086  }
0x1c: {  	p1 =	slt.u32 s9, $0xF7A;
	s5 =	simm.s32 @!p2 $0x0  }
0x1d: {  	s5 =	simm.s32 @p1 $0x1;
	p0 =	seq.s32 s7, s2  }
0x1e: {  	s7 =	smul.u32 @!p0 $0xF7A, s2;
	p2 =	seq.s32 @!p0 s5, $0x0  }
0x1f: {  	s9 =	smul.u32 $0xF7A, s1;
	s8 =	simm.s32 @!p0 $0x1BF5;
	p2 =	por !p2, p0  }
0x20: {  	[sflag:s8] =	ssyncset.s32 @!p0 $0xFFFFF086;
	s6 =	sadd.s32 @!p0 s3, s7;
	s7 =	simm.s32 @!p0 $0x108  }
0x21: {  	s3 =	sadd.s32 s3, s9;
	s6 =	sadd.s32 @!p0 $0x88, s6;
	s7 =	simm.s32 @p2 $0x1082  }
0x22: {  	[simem:s7], [sflag:s8] =	dma.local @!p0 [hbm:s6], $0xF7A  }
0x23: {  	s9 =	sor.u32 $0xD0000000, s2;
	s6 =	simm.s32 $0x108;
	_ =	swait.ge @!p0 [sflag:s8], $0x0  }
0x24: {  	s3 =	sadd.s32 $0x88, s3;
	s6 =	simm.s32 @!p1 $0x1082;
	[sflag:s4] =	ssyncset.s32 $0xFFFFF086  }
0x25: {  	[simem:s6], [sflag:s4] =	dma.local [hbm:s3], $0xF7A  }
0x26: {  	[smem:$0x3F95] =	sst s1;
	(tag) =	ssettag s2;
	_ =	strace s9  }
0x27: {  	s1 =	sld [smem:$0x3FA5]  }
0x28: {  	s2 =	sld [smem:$0x3FA6]  }
0x29: {  	s4 =	sld [smem:$0x3FA8]  }
0x2a: {  	p0 =	seq.s32 s5, $0x0;
	s5 =	sld [smem:$0x3FA9]  }
0x2b: {  	s6 =	sld [smem:$0x3FAA]  }
0x2c: {  	s7 =	sld [smem:$0x3FAB]  }
0x2d: {  	s3 =	simm.s32 $0x108;
	s8 =	sld [smem:$0x3FAC]  }
0x2e: {  	s3 =	simm.s32 @!p0 $0x1082;
	s9 =	sld [smem:$0x3FAD]  }
0x2f: {  	lr =	sadd.s32 s0, s3;
	s0 =	sld [smem:$0x3FA4]  }
0x30: {  	s3 =	sld [smem:$0x3FA7]  }
0x31: {  	[smem:$0x3FB0] =	sst s10  }
0x32: {  	s10 =	sld [smem:$0x3FAE];
	_ =	sdelay $0x3  }
0x33: {  	p0 =	seq.s32 s10, $0x1;
	s10 =	sld [smem:$0x3FB0];
	_ =	sdelay $0x3  }
0x34: {  	[smem:$0x3FB0] =	sst s10  }
0x35: {  	s10 =	sld [smem:$0x3FAF];
	_ =	sdelay $0x3  }
0x36: {  	p1 =	seq.s32 s10, $0x1;
	s10 =	sld [smem:$0x3FB0];
	_ =	sdelay $0x3  }
0x37: {  	[smem:$0x3FB0] =	sst s10  }
0x38: {  	s10 =	sld [smem:$0x3FB1]  }
0x39: {  	_ = 	snop;
	(pc) =	sbr.ind lr, $3  }
0x3a: {  	_ = 	snop  }
0x3b: {  	_ = 	snop  }
0x3c: {  	p2 =	seq.s32 s10, $0x1;
	s10 =	sld [smem:$0x3FB0]  }
0x3d: {  	_ =	shalt  }
0x3e: {  	_ =	shalt  }
0x3f: {  	_ =	shalt  }
0x40: {  	_ =	shalt  }
0x41: {  	_ =	shalt  }
0x42: {  	_ =	shalt  }
0x43: {  	_ =	shalt  }
0x44: {  	_ =	shalt  }
0x45: {  	_ =	shalt  }
0x46: {  	_ =	shalt  }
0x47: {  	_ =	shalt  }
0x48: {  	_ =	shalt  }
0x49: {  	_ =	shalt  }
0x4a: {  	_ =	shalt  }
0x4b: {  	_ =	shalt  }
0x4c: {  	_ =	shalt  }
0x4d: {  	_ =	shalt  }
0x4e: {  	_ =	shalt  }
0x4f: {  	_ =	shalt  }
0x50: {  	_ =	shalt  }
0x51: {  	_ =	shalt  }
0x52: {  	_ =	shalt  }
0x53: {  	_ =	shalt  }
0x54: {  	_ =	shalt  }
0x55: {  	_ =	shalt  }
0x56: {  	_ =	shalt  }
0x57: {  	_ =	shalt  }
0x58: {  	_ =	shalt  }
0x59: {  	_ =	shalt  }
0x5a: {  	_ =	shalt  }
0x5b: {  	_ =	shalt  }
0x5c: {  	_ =	shalt  }
0x5d: {  	_ =	shalt  }
0x5e: {  	_ =	shalt  }
0x5f: {  	_ =	shalt  }
0x60: {  	_ =	shalt  }
0x61: {  	_ =	shalt  }
0x62: {  	_ =	shalt  }
0x63: {  	_ =	shalt  }
0x64: {  	_ =	shalt  }
0x65: {  	_ =	shalt  }
0x66: {  	_ =	shalt  }
0x67: {  	_ =	shalt  }
0x68: {  	_ =	shalt  }
0x69: {  	_ =	shalt  }
0x6a: {  	_ =	shalt  }
0x6b: {  	_ =	shalt  }
0x6c: {  	_ =	shalt  }
0x6d: {  	_ =	shalt  }
0x6e: {  	_ =	shalt  }
0x6f: {  	_ =	shalt  }
0x70: {  	_ =	shalt  }
0x71: {  	_ =	shalt  }
0x72: {  	_ =	shalt  }
0x73: {  	_ =	shalt  }
0x74: {  	_ =	shalt  }
0x75: {  	_ =	shalt  }
0x76: {  	_ =	shalt  }
0x77: {  	_ =	shalt  }
0x78: {  	_ =	shalt  }
0x79: {  	_ =	shalt  }
0x7a: {  	_ =	shalt  }
0x7b: {  	_ =	shalt  }
0x7c: {  	_ =	shalt  }
0x7d: {  	_ =	shalt  }
0x7e: {  	_ =	shalt  }
0x7f: {  	_ =	shalt  }
0x80: {  	_ =	shalt  }
0x81: {  	_ =	shalt  }
0x82: {  	_ =	shalt  }
0x83: {  	_ =	shalt  }
0x84: {  	_ =	shalt  }
0x85: {  	_ =	shalt  }
0x86: {  	_ =	shalt  }
0x87: {  	_ =	shalt  }
.Lfunc_end0:
.L_simem_size_0:
called_computation.3_lowered:
.L_overlay_start_0:
0x88: {  	s2 =	sld [smem:$0x3FD9]  }
0x89: {  	s3 =	sld [smem:$0x3FFE];
	_ =	sdelay $0x1  }
0x8a: {  	s1 =	srdreg.scid  }
0x8b: {  	s0 =	sand.u32 $0x1, s1  }
0x8c: {  	s16 =	sshll.u32 s0, $0xA;
	s2 =	sadd.s32 s3, s2  }
0x8d: {  	s2 =	sadd.s32 s2, s16  }
0x8e: {  	[smem:$0x3FBC] =	sst s2  }
0x8f: {  	_ = 	snop  }
0x90: {  	(tm) =	ssettm $0x1  }
0x91: {  	s17 =	sld [smem:$0x3FFB];
	_ =	sdelay $0x3  }
0x92: {  	_ =	strace s17  }
0x93: {  	s2 =	sld [smem:$0x3FFC];
	_ =	sdelay $0x3  }
0x94: {  	_ =	strace s2  }
0x95: {  	s2 =	sld [smem:$0x3FFD];
	_ =	sdelay $0x3  }
0x96: {  	_ =	strace s2  }
0x97: {  	_ =	strace $0x8FFFFFFF  }
0x98: {  	s18 =	sld [smem:$0x3FDB];
	_ =	sdelay $0x1  }
0x99: {  	s19 =	simm.s32 $_scs_section_size  }
0x9a: {  	s4 =	simm.s32 $_size__tile_overlayer_lowered;
	s5 =	simm.s32 $_tile_overlayer_lowered  }
0x9b: {  	s22 =	simm.s32 $0x1BFF;
	s21 =	sshll.u32 s5, $0x1;
	s2 =	sadd.s32 s19, s18  }
0x9c: {  	s6 =	simm.s32 $0x0;
	s20 =	sshll.u32 s4, $0x1;
	s4 =	sadd.s32 s21, s2  }
0x9d: {  	[timem:s6], [sflag:s22] =	dma.local [hbm:s4], s20  }
0x9e: {  	_ =	swait.ge [sflag:s22], s20  }
0x9f: {  	s3 =	ssub.s32 $0x0, s20;
	[sflag:s22] =	ssyncset.done $0x0  }
0xa0: {  	[sflag:s22] =	ssyncadd.s32 s3;
	_ =	sdelay $0x1  }
0xa1: {  	s23 =	simm.s32 $0x1B8B  }
0xa2: {  	_ =	swait.ge [sflag:s23], $0x1  }
0xa3: {  	[sflag:s23] =	ssyncset.done $0x0  }
0xa4: {  	s25 =	simm.s32 $0x1B8E;
	s24 =	sld [smem:$0x3FFE];
	[sflag:s23] =	ssyncadd.s32 $0xFFFFFFFF  }
0xa5: {  	s26 =	simm.s32 $execute0_lowered;
	[smem:$0x3FD2] =	sst s25  }
0xa6: {  	s4 =	sshll.u32 s26, $0x1;
	_ =	strace $0x8000004F;
	[dreg:$0x1] =	wrdreg $0xFFFFFFFF  }
0xa7: {  	s28 =	simm.s32 $_size_execute0_lowered;
	s2 =	sadd.s32 s2, s4;
	[dreg:$0x0] =	wrdreg $0x0  }
0xa8: {  	s4 =	sshll.u32 s28, $0x1;
	[dreg:$0x2] =	wrdreg s2  }
0xa9: {  	[dreg:$0x3] =	wrdreg s4  }
0xaa: {  	[dreg:$0x4] =	wrdreg $0xC0  }
0xab: {  	_ =	task [dreg:s6], $0x5FFFF  }
0xac: {  	[dreg:$0x1] =	wrdreg $0xFFFFFFFF  }
0xad: {  	[dreg:$0x0] =	wrdreg $0x60  }
0xae: {  	[dreg:$0x2] =	wrdreg s24  }
0xaf: {  	[dreg:$0x3] =	wrdreg $0x9  }
0xb0: {  	_ =	task.clear_ibuf [dreg:s6], $0x4FFFF;
	_ =	strace $0x9000004F  }
0xb1: {  	s29 =	simm.s32 $0x9;
	_ =	strace $0x80000051  }
0xb2: {  	_ =	swait.ge [sflag:s29], $0x1  }
0xb3: {  	[sflag:s29] =	ssyncadd.s32 $0xFFFFFFFF  }
0xb4: {  	_ =	strace $0x90000051  }
0xb5: {  	_ =	sfence  }
0xb6: {  	s30 =	sld [smem:$0x0];
	_ =	sdelay $0x2  }
0xb7: {  	s31 =	sshll.u32 s1, $0xD;
	s1 =	sshrl.u32 s1, $0x2  }
0xb8: {  	s3 =	sand.u32 $0x4000, s31;
	s1 =	sadd.s32 s1, s30  }
0xb9: {  	s0 =	sor.u32 s3, s0;
	s1 =	sshll.u32 s1, $0x11  }
0xba: {  	s0 =	sor.u32 s1, s0  }
0xbb: {  	s0 =	sadd.s32 $0x8F2B, s0  }
0xbc: {  	[sflag:s0] =	ssyncadd.remote.s32 $0x1  }
0xbd: {  	_ =	sfence.sel $0xFFFF  }
0xbe: {  	[dreg:$0x0] =	wrdreg $0xFFFFFFFF;
	(pc) =	sbr.abs _section_cstart, $3  }
0xbf: {  	[dreg:$0x1] =	wrdreg $0xFFFFFFFF  }
0xc0: {  	_ =	task.clear_ibuf [dreg:s6], $0x2FFFF;
	_ =	strace $0x9FFFFFFF  }
0xc1: {  	(tm) =	ssettm $0x7FFFFFFF  }
tec
execute0_lowered:
.L_overlay_start_1:
0x0: {  	(tag) =	ssettag $0x1  }
0x1: {  	s5 =	rddreg [dreg:$0x0]  }
0x2: {  	s0 =	rddreg [dreg:$0x1];
	s1 =	simm.s32 $0x0  }
0x3: {  	s4 =	srdreg.scid;
	s2 =	stileid.u32;
	s12 =	simm.s32 $0x28  }
0x4: {  	s13 =	simm.s32 $0x8000;
	s14 =	simm.s32 $0x1;
	s15 =	simm.s32 $0x9400  }
0x5: {  	s16 =	simm.s32 $0x0;
	[smem:$0x7FF] =	sst s1;
	s3 =	sadd.s32 $0x2800, s5  }
0x6: {  	s6 =	sand.u32 $0x1, s4;
	s4 =	sadd.s32 $0x29A00, s5;
	s7 =	sshll.u32 s2, $0xC  }
0x7: {  	s30 =	smul.u32 $0x27100, s2;
	_ =	strace $0x80000050;
	s8 =	sshll.u32 s6, $0xB  }
0x8: {  	s9 =	ssub.s32 $0x2, s6;
	s11 =	smul.u32 $0x13880, s6;
	s7 =	sor.u32 s8, s7  }
0x9: {  	s10 =	sshrl.u32 s9, $0x1;
	s8 =	sadd.s32 s30, s5;
	s7 =	sadd.s32 s7, s5  }
0xa: {  	s9 =	ssub.s32 s9, s10;
	s31 =	sadd.s32 s11, s8;
	s11 =	simm.s32 $0x4000  }
0xb: {  	s10 =	simm.s32 $0x2;
	s5 =	sadd.s32 $0x1EBA00, s7;
	s6 =	sadd.s32 $0x1FBA00, s7  }
0xc: {  	s7 =	smax.u32 s9, $0x1;
	s8 =	sadd.s32 $0x20BA00, s31;
	s9 =	sadd.s32 $0x47CA00, s31  }
.LBB2_1:
0xd: {  	[tilespmem:s1], [sflag:$0x2] =	stream.linear.gather [hbm4b:s5+s1], $0x3E80, $0x38;
	[tilespmem:$0xA800] =	vst v63  }
0xe: {  	_ =	swait.ge [sflag:s10], $0x3E80  }
0xf: {  	[sflag:s10] =	ssyncset.done $0x0  }
0x10: {  	[sflag:s10] =	ssyncadd.s32 $0xFFFFC180  }
0x11: {  	[tilespmem:s11], [sflag:$0x2] =	stream.linear.gather [hbm4b:s6+s1], $0x3E80, $0x38;
	[tilespmem:$0xA800] =	vst v63  }
0x12: {  	_ =	swait.ge [sflag:s10], $0x3E80  }
0x13: {  	[sflag:s10] =	ssyncset.done $0x0  }
0x14: {  	s17 =	simm.s32 $0x0;
	[sflag:s10] =	ssyncadd.s32 $0xFFFFC180  }
0x15: {  	[tilespmem:s13], [sflag:$0x1] =	stream.indirect.gather [hbm4b:s3+s12], $0x80, s17, s12, $0xb8;
	[tilespmem:$0xA800] =	vst v63  }
0x16: {  	_ =	swait.ge [sflag:s14], $0x1400  }
0x17: {  	[sflag:s14] =	ssyncset.done $0x0  }
0x18: {  	s31 =	simm.s32 $0x4000;
	[sflag:s14] =	ssyncadd.s32 $0xFFFFEC00  }
0x19: {  	[tilespmem:s15], [sflag:$0x1] =	stream.indirect.gather [hbm4b:s4+s12], $0x80, s31, s12, $0xb8;
	[tilespmem:$0xA800] =	vst v63  }
0x1a: {  	_ =	swait.ge [sflag:s14], $0x1400  }
0x1b: {  	[sflag:s14] =	ssyncset.done $0x0  }
0x1c: {  	[sflag:s14] =	ssyncadd.s32 $0xFFFFEC00  }
0x1d: {  	[hbm4b:s8+s1] =	stream.linear.scatter [tilespmem:s13], [sflag:$0x2], $0x1400, $0x38;
	[tilespmem:$0xA800] =	vst v63  }
0x1e: {  	_ =	swait.ge [sflag:s10], $0x1400  }
0x1f: {  	[sflag:s10] =	ssyncset.done $0x0  }
0x20: {  	[sflag:s10] =	ssyncadd.s32 $0xFFFFEC00  }
0x21: {  	[hbm4b:s9+s1] =	stream.linear.scatter [tilespmem:s15], [sflag:$0x2], $0x1400, $0x38;
	[tilespmem:$0xA800] =	vst v63  }
0x22: {  	s19 =	simm.s32 $0x200;
	s20 =	simm.s32 $0x400;
	_ =	swait.ge [sflag:s10], $0x1400  }
0x23: {  	s18 =	sadd.s32 $0x280, s8;
	s17 =	sadd.s32 $0x280, s9;
	[sflag:s10] =	ssyncset.done $0x0  }
.LBB2_2:
0x24: {  	s21 =	sshra.s32 s19, $0x2  }
0x25: {  	[sflag:s10] =	ssyncadd.s32 $0xFFFFEC00;
	s19 =	smov.u32 s20;
	s22 =	sadd.s32 $0x200, s20  }
0x26: {  	[tilespmem:s13], [sflag:$0x1] =	stream.indirect.gather [hbm4b:s3+s12], $0x80, s21, s12, $0xb8;
	[tilespmem:$0xA800] =	vst v63  }
0x27: {  	p0 =	sne.s32 s20, $0xF800;
	_ =	swait.ge [sflag:s14], $0x1400  }
0x28: {  	[sflag:s14] =	ssyncset.done $0x0  }
0x29: {  	s20 =	sadd.s32 $0x4000, s21;
	[sflag:s14] =	ssyncadd.s32 $0xFFFFEC00  }
0x2a: {  	[tilespmem:s15], [sflag:$0x1] =	stream.indirect.gather [hbm4b:s4+s12], $0x80, s20, s12, $0xb8;
	[tilespmem:$0xA800] =	vst v63  }
0x2b: {  	_ =	swait.ge [sflag:s14], $0x1400  }
0x2c: {  	[sflag:s14] =	ssyncset.done $0x0  }
0x2d: {  	[sflag:s14] =	ssyncadd.s32 $0xFFFFEC00  }
0x2e: {  	[hbm4b:s18+s1] =	stream.linear.scatter [tilespmem:s13], [sflag:$0x2], $0x1400, $0x38;
	[tilespmem:$0xA800] =	vst v63  }
0x2f: {  	_ =	swait.ge [sflag:s10], $0x1400  }
.Ltmp0:
0x30: {  	[sflag:s10] =	ssyncset.done $0x0;
	(pc) =	sbr.rel @p0 .LBB2_2-.Ltmp0, $4  }
0x31: {  	[sflag:s10] =	ssyncadd.s32 $0xFFFFEC00  }
0x32: {  	[hbm4b:s17+s1] =	stream.linear.scatter [tilespmem:s15], [sflag:$0x2], $0x1400, $0x38;
	[tilespmem:$0xA800] =	vst v63  }
0x33: {  	s20 =	smov.u32 s22;
	_ =	swait.ge [sflag:s10], $0x1400  }
0x34: {  	s18 =	sadd.s32 $0x280, s18;
	s17 =	sadd.s32 $0x280, s17;
	[sflag:s10] =	ssyncset.done $0x0  }
0x35: {  	s19 =	sshra.s32 s19, $0x2;
	[sflag:s10] =	ssyncadd.s32 $0xFFFFEC00  }
0x36: {  	[tilespmem:s13], [sflag:$0x1] =	stream.indirect.gather [hbm4b:s3+s12], $0x80, s19, s12, $0xb8;
	[tilespmem:$0xA800] =	vst v63  }
0x37: {  	_ =	swait.ge [sflag:s14], $0x1400  }
0x38: {  	[sflag:s14] =	ssyncset.done $0x0  }
0x39: {  	s19 =	sadd.s32 $0x4000, s19;
	[sflag:s14] =	ssyncadd.s32 $0xFFFFEC00  }
0x3a: {  	[tilespmem:s15], [sflag:$0x1] =	stream.indirect.gather [hbm4b:s4+s12], $0x80, s19, s12, $0xb8;
	[tilespmem:$0xA800] =	vst v63  }
0x3b: {  	_ =	swait.ge [sflag:s14], $0x1400  }
0x3c: {  	[sflag:s14] =	ssyncset.done $0x0  }
0x3d: {  	[sflag:s14] =	ssyncadd.s32 $0xFFFFEC00  }
0x3e: {  	[hbm4b:s18+s1] =	stream.linear.scatter [tilespmem:s13], [sflag:$0x2], $0x1400, $0x38;
	[tilespmem:$0xA800] =	vst v63  }
0x3f: {  	s16 =	sadd.s32 $0x1, s16;
	_ =	swait.ge [sflag:s10], $0x1400  }
0x40: {  	p0 =	sne.s32 s16, s7;
	[sflag:s10] =	ssyncset.done $0x0  }
.Ltmp1:
0x41: {  	[sflag:s10] =	ssyncadd.s32 $0xFFFFEC00;
	(pc) =	sbr.rel @p0 .LBB2_1-.Ltmp1, $4  }
0x42: {  	[hbm4b:s17+s1] =	stream.linear.scatter [tilespmem:s15], [sflag:$0x2], $0x1400, $0x38;
	[tilespmem:$0xA800] =	vst v63  }
0x43: {  	_ =	swait.ge [sflag:s10], $0x1400  }
0x44: {  	[sflag:s10] =	ssyncset.done $0x0  }
0x45: {  	[sflag:s10] =	ssyncadd.s32 $0xFFFFEC00  }
0x46: {  	_ =	sfence.sel $0x180000  }
0x47: {  	[bflag:$0x0] =	sbarrier.arrive $0xFFFF  }
0x48: {  	p0 =	sne.s32 s2, $0x0;
	_ =	strace $0x90000050  }
0x49: {  	s0 =	sadd.s32 @!p0 $0x100000, s0;
	[bflag:$0x2] =	sbarrier.arrive $0xFFFF  }
0x4a: {  	[sflag:s0] =	ssyncadd.tile.s32 @!p0 $0x1;
	_ =	shalt  }
.Lfunc_end2:
_tile_overlayer_lowered:
.L_overlay_start_2:
0x4b: {  	(tag) =	ssettag $0x2  }
0x4c: {  	s0 =	rddreg [dreg:$0x0];
	s2 =	stileid.u32  }
0x4d: {  	s1 =	rddreg [dreg:$0x1];
	p0 =	sne.s32 s2, $0x0  }
0x4e: {  	s3 =	rddreg [dreg:$0x2];
	[bflag:$0x3] =	sbarrier.arrive $0xFFFF;
	s2 =	simm.s32 @!p0 $0x1C02  }
0x4f: {  	[timem:s3], [sflag:s2] =	dma.local @!p0 [hbm:s0], s1  }
0x50: {  	s0 =	simm.s32 @!p0 $0x2  }
0x51: {  	_ =	swait.ge @!p0 [sflag:s0], s1  }
0x52: {  	s1 =	ssub.s32 @!p0 $0x0, s1;
	[sflag:s0] =	ssyncset.done @!p0 $0x0  }
0x53: {  	[sflag:s0] =	ssyncadd.s32 @!p0 s1  }
0x54: {  	[bflag:$0x3] =	sbarrier.arrive $0xFFFF  }
0x55: {  	_ =	shalt  }

// kernel: kernel.9.cloned.1.call-start
scs
__scs_entry_jumppad:
0x0: {  	(pc) =	sbr.rel $0x88, $3  }
0x1: {  	(tag) =	ssettag $0x0;
	lr =	simm.s32 $0x1  }
0x2: {  	[smem:$0x3F95] =	sst lr;
	_ =	strace $0xD0000000  }
0x3: {  	_ = 	snop  }
0x4: {  	_ = 	snop  }
0x5: {  	_ = 	snop  }
0x6: {  	_ = 	snop  }
0x7: {  	_ = 	snop  }
__scs_overlays_trampoline_lowered:
0x8: {  	[smem:$0x3FA4] =	sst s0  }
0x9: {  	[smem:$0x3FA5] =	sst s1  }
0xa: {  	[smem:$0x3FA6] =	sst s2  }
0xb: {  	[smem:$0x3FA7] =	sst s3  }
0xc: {  	[smem:$0x3FA8] =	sst s4  }
0xd: {  	[smem:$0x3FA9] =	sst s5  }
0xe: {  	[smem:$0x3FAA] =	sst s6  }
0xf: {  	[smem:$0x3FAB] =	sst s7  }
0x10: {  	[smem:$0x3FAC] =	sst s8  }
0x11: {  	[smem:$0x3FAD] =	sst s9;
	s0 =	simm.s32 @!p0 $0x0  }
0x12: {  	s1 =	sld [smem:$0x3F93];
	s0 =	simm.s32 @p0 $0x1  }
0x13: {  	[smem:$0x3FAE] =	sst s0;
	s0 =	simm.s32 @!p1 $0x0  }
0x14: {  	s2 =	sld [smem:$0x3F92];
	s0 =	simm.s32 @p1 $0x1  }
0x15: {  	[smem:$0x3FAF] =	sst s0;
	s0 =	simm.s32 @!p2 $0x0  }
0x16: {  	s3 =	sld [smem:$0x3FDB];
	s0 =	simm.s32 @p2 $0x1  }
0x17: {  	s4 =	simm.s32 $0x1BF5;
	[smem:$0x3FB1] =	sst s0  }
0x18: {  	s0 =	sld [smem:$0x3F94];
	_ =	swait.ge [sflag:s4], $0x0  }
0x19: {  	s7 =	sld [smem:$0x3F95]  }
0x1a: {  	s8 =	sadd.s32 $0xFFFFE003, lr  }
0x1b: {  	s9 =	sadd.s32 $0xFFFFFEF7, lr;
	s5 =	simm.s32 $0xFFFFFFFF;
	p2 =	slt.u32 s8, $0xFFFFF086  }
0x1c: {  	p1 =	slt.u32 s9, $0xF7A;
	s5 =	simm.s32 @!p2 $0x0  }
0x1d: {  	s5 =	simm.s32 @p1 $0x1;
	p0 =	seq.s32 s7, s2  }
0x1e: {  	s7 =	smul.u32 @!p0 $0xF7A, s2;
	p2 =	seq.s32 @!p0 s5, $0x0  }
0x1f: {  	s9 =	smul.u32 $0xF7A, s1;
	s8 =	simm.s32 @!p0 $0x1BF5;
	p2 =	por !p2, p0  }
0x20: {  	[sflag:s8] =	ssyncset.s32 @!p0 $0xFFFFF086;
	s6 =	sadd.s32 @!p0 s3, s7;
	s7 =	simm.s32 @!p0 $0x108  }
0x21: {  	s3 =	sadd.s32 s3, s9;
	s6 =	sadd.s32 @!p0 $0x88, s6;
	s7 =	simm.s32 @p2 $0x1082  }
0x22: {  	[simem:s7], [sflag:s8] =	dma.local @!p0 [hbm:s6], $0xF7A  }
0x23: {  	s9 =	sor.u32 $0xD0000000, s2;
	s6 =	simm.s32 $0x108;
	_ =	swait.ge @!p0 [sflag:s8], $0x0  }
0x24: {  	s3 =	sadd.s32 $0x88, s3;
	s6 =	simm.s32 @!p1 $0x1082;
	[sflag:s4] =	ssyncset.s32 $0xFFFFF086  }
0x25: {  	[simem:s6], [sflag:s4] =	dma.local [hbm:s3], $0xF7A  }
0x26: {  	[smem:$0x3F95] =	sst s1;
	(tag) =	ssettag s2;
	_ =	strace s9  }
0x27: {  	s1 =	sld [smem:$0x3FA5]  }
0x28: {  	s2 =	sld [smem:$0x3FA6]  }
0x29: {  	s4 =	sld [smem:$0x3FA8]  }
0x2a: {  	p0 =	seq.s32 s5, $0x0;
	s5 =	sld [smem:$0x3FA9]  }
0x2b: {  	s6 =	sld [smem:$0x3FAA]  }
0x2c: {  	s7 =	sld [smem:$0x3FAB]  }
0x2d: {  	s3 =	simm.s32 $0x108;
	s8 =	sld [smem:$0x3FAC]  }
0x2e: {  	s3 =	simm.s32 @!p0 $0x1082;
	s9 =	sld [smem:$0x3FAD]  }
0x2f: {  	lr =	sadd.s32 s0, s3;
	s0 =	sld [smem:$0x3FA4]  }
0x30: {  	s3 =	sld [smem:$0x3FA7]  }
0x31: {  	[smem:$0x3FB0] =	sst s10  }
0x32: {  	s10 =	sld [smem:$0x3FAE];
	_ =	sdelay $0x3  }
0x33: {  	p0 =	seq.s32 s10, $0x1;
	s10 =	sld [smem:$0x3FB0];
	_ =	sdelay $0x3  }
0x34: {  	[smem:$0x3FB0] =	sst s10  }
0x35: {  	s10 =	sld [smem:$0x3FAF];
	_ =	sdelay $0x3  }
0x36: {  	p1 =	seq.s32 s10, $0x1;
	s10 =	sld [smem:$0x3FB0];
	_ =	sdelay $0x3  }
0x37: {  	[smem:$0x3FB0] =	sst s10  }
0x38: {  	s10 =	sld [smem:$0x3FB1]  }
0x39: {  	_ = 	snop;
	(pc) =	sbr.ind lr, $3  }
0x3a: {  	_ = 	snop  }
0x3b: {  	_ = 	snop  }
0x3c: {  	p2 =	seq.s32 s10, $0x1;
	s10 =	sld [smem:$0x3FB0]  }
0x3d: {  	_ =	shalt  }
0x3e: {  	_ =	shalt  }
0x3f: {  	_ =	shalt  }
0x40: {  	_ =	shalt  }
0x41: {  	_ =	shalt  }
0x42: {  	_ =	shalt  }
0x43: {  	_ =	shalt  }
0x44: {  	_ =	shalt  }
0x45: {  	_ =	shalt  }
0x46: {  	_ =	shalt  }
0x47: {  	_ =	shalt  }
0x48: {  	_ =	shalt  }
0x49: {  	_ =	shalt  }
0x4a: {  	_ =	shalt  }
0x4b: {  	_ =	shalt  }
0x4c: {  	_ =	shalt  }
0x4d: {  	_ =	shalt  }
0x4e: {  	_ =	shalt  }
0x4f: {  	_ =	shalt  }
0x50: {  	_ =	shalt  }
0x51: {  	_ =	shalt  }
0x52: {  	_ =	shalt  }
0x53: {  	_ =	shalt  }
0x54: {  	_ =	shalt  }
0x55: {  	_ =	shalt  }
0x56: {  	_ =	shalt  }
0x57: {  	_ =	shalt  }
0x58: {  	_ =	shalt  }
0x59: {  	_ =	shalt  }
0x5a: {  	_ =	shalt  }
0x5b: {  	_ =	shalt  }
0x5c: {  	_ =	shalt  }
0x5d: {  	_ =	shalt  }
0x5e: {  	_ =	shalt  }
0x5f: {  	_ =	shalt  }
0x60: {  	_ =	shalt  }
0x61: {  	_ =	shalt  }
0x62: {  	_ =	shalt  }
0x63: {  	_ =	shalt  }
0x64: {  	_ =	shalt  }
0x65: {  	_ =	shalt  }
0x66: {  	_ =	shalt  }
0x67: {  	_ =	shalt  }
0x68: {  	_ =	shalt  }
0x69: {  	_ =	shalt  }
0x6a: {  	_ =	shalt  }
0x6b: {  	_ =	shalt  }
0x6c: {  	_ =	shalt  }
0x6d: {  	_ =	shalt  }
0x6e: {  	_ =	shalt  }
0x6f: {  	_ =	shalt  }
0x70: {  	_ =	shalt  }
0x71: {  	_ =	shalt  }
0x72: {  	_ =	shalt  }
0x73: {  	_ =	shalt  }
0x74: {  	_ =	shalt  }
0x75: {  	_ =	shalt  }
0x76: {  	_ =	shalt  }
0x77: {  	_ =	shalt  }
0x78: {  	_ =	shalt  }
0x79: {  	_ =	shalt  }
0x7a: {  	_ =	shalt  }
0x7b: {  	_ =	shalt  }
0x7c: {  	_ =	shalt  }
0x7d: {  	_ =	shalt  }
0x7e: {  	_ =	shalt  }
0x7f: {  	_ =	shalt  }
0x80: {  	_ =	shalt  }
0x81: {  	_ =	shalt  }
0x82: {  	_ =	shalt  }
0x83: {  	_ =	shalt  }
0x84: {  	_ =	shalt  }
0x85: {  	_ =	shalt  }
0x86: {  	_ =	shalt  }
0x87: {  	_ =	shalt  }
.Lfunc_end0:
.L_simem_size_0:
called_computation_lowered:
.L_overlay_start_0:
0x88: {  	s2 =	sld [smem:$0x3FD9]  }
0x89: {  	s3 =	sld [smem:$0x3FFE];
	_ =	sdelay $0x1  }
0x8a: {  	s1 =	srdreg.scid  }
0x8b: {  	s0 =	sand.u32 $0x1, s1  }
0x8c: {  	s17 =	sshll.u32 s0, $0xA;
	s2 =	sadd.s32 s3, s2  }
0x8d: {  	s2 =	sadd.s32 s2, s17  }
0x8e: {  	[smem:$0x3FBC] =	sst s2  }
0x8f: {  	_ = 	snop  }
0x90: {  	s18 =	sld [smem:$0x3FD0];
	(tm) =	ssettm $0x1  }
0x91: {  	s19 =	sld [smem:$0x3FFB];
	_ =	sdelay $0x3  }
0x92: {  	_ =	strace s19  }
0x93: {  	s2 =	sld [smem:$0x3FFC];
	_ =	sdelay $0x3  }
0x94: {  	_ =	strace s2  }
0x95: {  	s2 =	sld [smem:$0x3FFD];
	_ =	sdelay $0x3  }
0x96: {  	_ =	strace s2  }
0x97: {  	_ =	strace $0x8FFFFFFF  }
0x98: {  	s20 =	sld [smem:$0x3FDB];
	_ =	sdelay $0x1  }
0x99: {  	s4 =	simm.s32 $_scs_section_size  }
0x9a: {  	s5 =	simm.s32 $_size__tile_overlayer_lowered;
	s6 =	simm.s32 $_tile_overlayer_lowered  }
0x9b: {  	s7 =	simm.s32 $0x1BFF;
	s21 =	sshll.u32 s6, $0x1;
	s4 =	sadd.s32 s4, s20  }
0x9c: {  	s22 =	simm.s32 $0x0;
	s5 =	sshll.u32 s5, $0x1;
	s6 =	sadd.s32 s21, s4  }
0x9d: {  	[timem:s22], [sflag:s7] =	dma.local [hbm:s6], s5  }
0x9e: {  	_ =	swait.ge [sflag:s7], s5  }
0x9f: {  	s5 =	ssub.s32 $0x0, s5;
	[sflag:s7] =	ssyncset.done $0x0  }
0xa0: {  	[sflag:s7] =	ssyncadd.s32 s5;
	_ =	sdelay $0x1  }
0xa1: {  	s23 =	simm.s32 $0x1B8B  }
0xa2: {  	_ =	swait.ge [sflag:s23], $0x1  }
0xa3: {  	[sflag:s23] =	ssyncset.done $0x0  }
0xa4: {  	[sflag:s23] =	ssyncadd.s32 $0xFFFFFFFF  }
0xa5: {  	s5 =	sld [smem:$0x0]  }
0xa6: {  	s6 =	sand.u32 $0xFFFFFFFE, s1  }
0xa7: {  	p0 =	sne.s32 s1, s6  }
0xa8: {  	s6 =	sshll.u32 @p0 s6, $0xE  }
0xa9: {  	s6 =	sadd.s32 @p0 $0x11B8D, s6;
	s7 =	sshll.u32 @p0 s5, $0x11  }
0xaa: {  	s6 =	sor.u32 @p0 s7, s6  }
0xab: {  	[sflag:s6] =	ssyncadd.remote.s32 @p0 $0x1;
	_ =	sdelay $0x1  }
0xac: {  	s6 =	simm.s32 @p0 $0x1B8D  }
0xad: {  	_ =	swait.eq @p0 [sflag:s6], $0x1  }
0xae: {  	[sflag:s6] =	ssyncadd.s32 @p0 $0xFFFFFFFF  }
0xaf: {  	s7 =	sshll.u32 @!p0 s1, $0xE  }
0xb0: {  	s7 =	sor.u32 @!p0 $0x4000, s7;
	s6 =	simm.s32 @!p0 $0x1B8D  }
0xb1: {  	s5 =	sshll.u32 @!p0 s5, $0x11;
	s7 =	sadd.s32 @!p0 $0x11B8D, s7;
	_ =	swait.eq @!p0 [sflag:s6], $0x1  }
0xb2: {  	s5 =	sor.u32 @!p0 s5, s7;
	[sflag:s6] =	ssyncadd.s32 @!p0 $0xFFFFFFFF  }
0xb3: {  	s25 =	simm.s32 $0x1B8E;
	s24 =	sld [smem:$0x3FFE];
	[sflag:s5] =	ssyncadd.remote.s32 @!p0 $0x1  }
0xb4: {  	s26 =	simm.s32 $execute0_lowered;
	[smem:$0x3FD2] =	sst s25  }
0xb5: {  	s6 =	sshll.u32 s26, $0x1;
	_ =	strace $0x80000049;
	[dreg:$0x1] =	wrdreg $0xFFFFFFFF  }
0xb6: {  	s28 =	simm.s32 $_size_execute0_lowered;
	s4 =	sadd.s32 s4, s6;
	[dreg:$0x0] =	wrdreg $0x0  }
0xb7: {  	s6 =	sshll.u32 s28, $0x1;
	[dreg:$0x2] =	wrdreg s4  }
0xb8: {  	[dreg:$0x3] =	wrdreg s6  }
0xb9: {  	[dreg:$0x4] =	wrdreg $0xC0  }
0xba: {  	_ =	task [dreg:s22], $0x5FFFF  }
0xbb: {  	[dreg:$0x1] =	wrdreg $0xFFFFFFFF  }
0xbc: {  	[dreg:$0x0] =	wrdreg $0x60  }
0xbd: {  	[dreg:$0x2] =	wrdreg s24  }
0xbe: {  	[dreg:$0x3] =	wrdreg s18  }
0xbf: {  	[dreg:$0x4] =	wrdreg $0x68000  }
0xc0: {  	[dreg:$0x5] =	wrdreg $0x9  }
0xc1: {  	_ =	task.clear_ibuf [dreg:s22], $0x6FFFF;
	_ =	strace $0x90000049  }
0xc2: {  	s29 =	simm.s32 $0x9;
	_ =	strace $0x8000004B  }
0xc3: {  	_ =	swait.ge [sflag:s29], $0x1  }
0xc4: {  	[sflag:s29] =	ssyncadd.s32 $0xFFFFFFFF  }
0xc5: {  	_ =	strace $0x9000004B  }
0xc6: {  	_ =	sfence  }
0xc7: {  	s30 =	sld [smem:$0x0];
	_ =	sdelay $0x2  }
0xc8: {  	s31 =	sshll.u32 s1, $0xD;
	s1 =	sshrl.u32 s1, $0x2  }
0xc9: {  	s4 =	sand.u32 $0x4000, s31;
	s1 =	sadd.s32 s1, s30  }
0xca: {  	s0 =	sor.u32 s4, s0;
	s1 =	sshll.u32 s1, $0x11  }
0xcb: {  	s0 =	sor.u32 s1, s0  }
0xcc: {  	s0 =	sadd.s32 $0x8F2B, s0  }
0xcd: {  	[sflag:s0] =	ssyncadd.remote.s32 $0x1  }
0xce: {  	_ =	sfence.sel $0xFFFF  }
0xcf: {  	[dreg:$0x0] =	wrdreg $0xFFFFFFFF;
	(pc) =	sbr.abs _section_cstart, $3  }
0xd0: {  	[dreg:$0x1] =	wrdreg $0xFFFFFFFF  }
0xd1: {  	_ =	task.clear_ibuf [dreg:s22], $0x2FFFF;
	_ =	strace $0x9FFFFFFF  }
0xd2: {  	(tm) =	ssettm $0x7FFFFFFF  }
0xd3: {  	_ =	shalt  }
tec
execute0_lowered:
.L_overlay_start_1:
0x0: {  	(tag) =	ssettag $0x1  }
0x1: {  	s6 =	rddreg [dreg:$0x0]  }
0x2: {  	s1 =	rddreg [dreg:$0x1]  }
0x3: {  	s3 =	rddreg [dreg:$0x2]  }
0x4: {  	s0 =	rddreg [dreg:$0x3];
	s4 =	simm.s32 $0x0;
	s2 =	stileid.u32  }
0x5: {  	s5 =	srdreg.scid;
	s13 =	simm.s32 $0x50;
	s14 =	simm.s32 $0x0  }
0x6: {  	[smem:$0x7FF] =	sst s4;
	s7 =	smul.u32 $0x2800, s2;
	s9 =	sand.u32 $0x1, s5  }
0x7: {  	s29 =	sshll.u32 s2, $0xB;
	s10 =	smul.u32 $0x50000, s2;
	s5 =	sadd.s32 $0xB1200, s6  }
0x8: {  	s31 =	sshll.u32 s2, $0x6;
	_ =	strace $0x8000004A;
	s8 =	ssub.s32 $0x2, s9  }
.Ltmp0:
0x9: {  	s11 =	sadd.s32 s29, s6;
	p0 =	sne.s32 s9, $0x0;
	(pc) =	sbr.rel .LBB2_1-.Ltmp0, $4  }
0xa: {  	s9 =	simm.s32 $0x1;
	s12 =	sshrl.u32 s8, $0x1;
	s7 =	sadd.s32 s7, s6  }
0xb: {  	s10 =	sshrl.u32 s10, $0x2;
	s6 =	sadd.s32 $0x2800, s11;
	s11 =	sor.u32 $0x1C01, s31  }
0xc: {  	s8 =	ssub.s32 s8, s12;
	s30 =	sadd.s32 s10, s3;
	s7 =	sadd.s32 $0xB1800, s7  }
0xd: {  	s10 =	simm.s32 $0x4000;
	s8 =	smax.u32 s8, $0x1;
	s12 =	sshrl.u32 s30, $0x3  }
.LBB2_7:
0xe: {  	[bflag:$0x0] =	sbarrier.arrive $0xFFFF  }
.LBB2_5:
0xf: {  	s14 =	sadd.s32 $0x1, s14  }
0x10: {  	p1 =	sne.s32 s14, s8  }
.Ltmp1:
0x11: {  	_ = 	snop;
	(pc) =	sbr.rel @!p1 .LBB2_6-.Ltmp1, $1  }
0x12: {  	_ =	sdelay $0x3  }
.LBB2_1:
0x13: {  	[tilespmem:s4], [sflag:$0x1] =	stream.linear.gather [hbm4b:s6+s4], $0x3E80, $0x38;
	[tilespmem:$0x9000] =	vst v63  }
0x14: {  	_ =	swait.ge [sflag:s9], $0x3E80  }
0x15: {  	[sflag:s9] =	ssyncset.done $0x0  }
0x16: {  	[sflag:s9] =	ssyncadd.s32 $0xFFFFC180  }
0x17: {  	[tilespmem:s10], [sflag:$0x1] =	stream.linear.gather [hbm4b:s5+s4], $0x2800, $0x38;
	[tilespmem:$0x9000] =	vst v63  }
0x18: {  	_ =	swait.ge [sflag:s9], $0x2800  }
0x19: {  	[sflag:s9] =	ssyncset.done $0x0  }
0x1a: {  	[sflag:s9] =	ssyncadd.s32 $0xFFFFD800  }
0x1b: {  	[spmem:s12], [sflag:s11] =	dma.local [hbm:s1], $0x2800  }
.Ltmp2:
0x1c: {  	_ =	swait.ge [sflag:s9], $0x2800;
	(pc) =	sbr.rel @p0 .LBB2_7-.Ltmp2, $3  }
0x1d: {  	[sflag:s9] =	ssyncset.done $0x0  }
0x1e: {  	[sflag:s9] =	ssyncadd.s32 $0xFFFFD800  }
0x1f: {  	[bflag:$0x0] =	sbarrier.arrive $0xFFFF;
	_ =	sdelay $0x1  }
0x20: {  	s15 =	sshra.s32 s4, $0x2  }
0x21: {  	[spmem:s3] =	stream.indirect.scatter.add.f32 [tilespmem:s10], [sflag:$0x1], $0x10, s15, s13, $0xb8;
	[tilespmem:$0x9000] =	vst v63  }
0x22: {  	_ =	swait.ge [sflag:s9], $0x500  }
0x23: {  	s15 =	sadd.s32 $0x200, s4;
	[sflag:s9] =	ssyncset.done $0x0  }
.LBB2_3:
0x24: {  	s16 =	sshra.s32 s15, $0x2;
	[sflag:s9] =	ssyncadd.s32 $0xFFFFFB00;
	p1 =	seq.s32 s15, $0xF800  }
0x25: {  	[spmem:s3] =	stream.indirect.scatter.add.f32 [tilespmem:s10], [sflag:$0x1], $0x10, s16, s13, $0xb8;
	[tilespmem:$0x9000] =	vst v63  }
.Ltmp3:
0x26: {  	_ = 	snop;
	(pc) =	sbr.rel @!p1 .LBB2_3-.Ltmp3, $4  }
0x27: {  	_ = 	snop  }
0x28: {  	s15 =	sadd.s32 $0x200, s15  }
0x29: {  	_ =	swait.ge [sflag:s9], $0x500  }
0x2a: {  	[sflag:s9] =	ssyncset.done $0x0  }
0x2b: {  	[sflag:s9] =	ssyncadd.s32 $0xFFFFFB00  }
.Ltmp4:
0x2c: {  	[bflag:$0x0] =	sbarrier.arrive $0xFFFF;
	(pc) =	sbr.rel .LBB2_5-.Ltmp4, $4  }
0x2d: {  	[hbm:s7], [sflag:s11] =	dma.local [spmem:s12], $0x2800  }
0x2e: {  	_ =	swait.ge [sflag:s9], $0x2800  }
0x2f: {  	[sflag:s9] =	ssyncset.done $0x0  }
0x30: {  	[sflag:s9] =	ssyncadd.s32 $0xFFFFD800  }
.LBB2_6:
0x31: {  	_ =	sfence.sel $0x180000  }
0x32: {  	[bflag:$0x0] =	sbarrier.arrive $0xFFFF  }
0x33: {  	p0 =	sne.s32 s2, $0x0;
	_ =	strace $0x9000004A  }
0x34: {  	s0 =	sadd.s32 @!p0 $0x100000, s0;
	[bflag:$0x2] =	sbarrier.arrive $0xFFFF  }
0x35: {  	[sflag:s0] =	ssyncadd.tile.s32 @!p0 $0x1;
	_ =	shalt  }
.Lfunc_end2:
_tile_overlayer_lowered:
.L_overlay_start_2:
0x36: {  	(tag) =	ssettag $0x2  }
0x37: {  	s0 =	rddreg [dreg:$0x0];
	s2 =	stileid.u32  }
0x38: {  	s1 =	rddreg [dreg:$0x1];
	p0 =	sne.s32 s2, $0x0  }
0x39: {  	s3 =	rddreg [dreg:$0x2];
	[bflag:$0x3] =	sbarrier.arrive $0xFFFF;
	s2 =	simm.s32 @!p0 $0x1C01  }
0x3a: {  	[timem:s3], [sflag:s2] =	dma.local @!p0 [hbm:s0], s1  }
0x3b: {  	s0 =	simm.s32 @!p0 $0x1  }
0x3c: {  	_ =	swait.ge @!p0 [sflag:s0], s1  }
0x3d: {  	s1 =	ssub.s32 @!p0 $0x0, s1;
	[sflag:s0] =	ssyncset.done @!p0 $0x0  }
0x3e: {  	[sflag:s0] =	ssyncadd.s32 @!p0 s1  }
0x3f: {  	[bflag:$0x3] =	sbarrier.arrive $0xFFFF  }
0x40: {  	_ =	shalt  }

</sc_bundles>
